<compile_context>
chip_gen: v7x
topology: tpu7x:2x2x1
jax: 0.10.2.dev20260603
libtpu: 0.0.44.dev20260713+nightly
codegen_flags: <defaults>
</compile_context>

<pallas_src>
import functools

import jax
import jax.numpy as jnp
from jax import lax
from jax.experimental import pallas as pl
from jax.experimental.pallas import tpu as pltpu
from jax.experimental.pallas import tpu_sc as plsc

_DECAY = 1e-4
_EPS = 0.03

_NC = 2
_NS = 16
_NW = _NC * _NS


def _sc_mesh():
  return plsc.VectorSubcoreMesh(core_axis_name="c", subcore_axis_name="s",
                                num_cores=_NC)


def _sc_gather_items(item4, pos4, neg4):
  B = pos4.shape[0]
  BK = neg4.shape[0]
  per_w = B // _NW
  negs_per_w = BK // _NW
  chunk = min(per_w, 512)
  n_chunks = negs_per_w // chunk
  f32 = jnp.float32

  @functools.partial(
      pl.kernel,
      out_type=[
          jax.ShapeDtypeStruct((B, 128), f32),
          jax.ShapeDtypeStruct((BK, 128), f32),
      ],
      mesh=_sc_mesh(),
      scratch_types=[
          pltpu.VMEM((chunk,), jnp.int32),
          pltpu.VMEM((chunk, 128), f32),
          pltpu.SemaphoreType.DMA,
      ],
  )
  def gather_kernel(item_hbm, pos_hbm, neg_hbm, pos_out, neg_out,
                    idx_v, rows_v, sem):
    wid = lax.axis_index("s") * _NC + lax.axis_index("c")
    base = wid * per_w
    pltpu.sync_copy(pos_hbm.at[pl.ds(base, per_w)], idx_v)
    pltpu.async_copy(item_hbm.at[idx_v], rows_v, sem).wait()
    pltpu.sync_copy(rows_v, pos_out.at[pl.ds(base, per_w)])
    nbase = wid * negs_per_w
    for t in range(n_chunks):
      off = nbase + t * chunk
      pltpu.sync_copy(neg_hbm.at[pl.ds(off, chunk)], idx_v)
      pltpu.async_copy(item_hbm.at[idx_v], rows_v, sem).wait()
      pltpu.sync_copy(rows_v, neg_out.at[pl.ds(off, chunk)])

  return gather_kernel(item4, pos4, neg4)


def _sc_gather_users(user4, nu4, ni4, users4, pos4):
  B = users4.shape[0]
  per_w = B // _NW
  chunk = min(per_w, 512)
  f32 = jnp.float32

  @functools.partial(
      pl.kernel,
      out_type=[
          jax.ShapeDtypeStruct((B, 128), f32),
          jax.ShapeDtypeStruct((B, 128), f32),
          jax.ShapeDtypeStruct((B, 128), f32),
      ],
      mesh=_sc_mesh(),
      scratch_types=[
          pltpu.VMEM((chunk,), jnp.int32),
          pltpu.VMEM((chunk, 128), f32),
          pltpu.SemaphoreType.DMA,
      ],
  )
  def gather_kernel(user_hbm, nu_hbm, ni_hbm, users_hbm, pos_hbm,
                    u_out, nu_out, ni_out, idx_v, rows_v, sem):
    wid = lax.axis_index("s") * _NC + lax.axis_index("c")
    base = wid * per_w
    pltpu.sync_copy(users_hbm.at[pl.ds(base, per_w)], idx_v)
    pltpu.async_copy(user_hbm.at[idx_v], rows_v, sem).wait()
    pltpu.sync_copy(rows_v, u_out.at[pl.ds(base, per_w)])
    pltpu.async_copy(nu_hbm.at[idx_v], rows_v, sem).wait()
    pltpu.sync_copy(rows_v, nu_out.at[pl.ds(base, per_w)])
    pltpu.sync_copy(pos_hbm.at[pl.ds(base, per_w)], idx_v)
    pltpu.async_copy(ni_hbm.at[idx_v], rows_v, sem).wait()
    pltpu.sync_copy(rows_v, ni_out.at[pl.ds(base, per_w)])

  return gather_kernel(user4, nu4, ni4, users4, pos4)


def _tc_relayout3(a, b, c):
  N = a.shape[0]
  N4 = N // 4
  Rb4 = 2000
  grid = N4 // Rb4
  nblk = N4 // Rb4
  f32 = jnp.float32

  def body(a0, a1, a2, a3, b0, b1, b2, b3, c0, c1, c2, c3,
           ao_ref, bo_ref, co_ref):
    ao_ref[...] = jnp.concatenate(
        [a0[...], a1[...], a2[...], a3[...]], axis=1)
    bo_ref[...] = jnp.concatenate(
        [b0[...], b1[...], b2[...], b3[...]], axis=1)
    co_ref[...] = jnp.concatenate(
        [c0[...], c1[...], c2[...], c3[...]], axis=1)

  in_specs = []
  for _ in range(3):
    for k in range(4):
      in_specs.append(
          pl.BlockSpec((Rb4, 32), lambda i, k=k: (k * nblk + i, 0)))

  return pl.pallas_call(
      body,
      grid=(grid,),
      in_specs=in_specs,
      out_specs=[pl.BlockSpec((Rb4, 128), lambda i: (i, 0))] * 3,
      out_shape=[jax.ShapeDtypeStruct((N4, 128), f32)] * 3,
  )(a, a, a, a, b, b, b, b, c, c, c, c)


def _tc_score(u4, pos4, nu4, ni4, neg4, sel_u, sel_p, sel_pn, sel_n,
              B, K, D):
  Bb = min(512, B)
  grid = B // Bb
  f32 = jnp.float32

  def body(u_ref, pos_ref, nu_ref, ni_ref, neg_ref, su_ref, sp_ref,
           spn_ref, sn_ref, ypos_ref, yneg_ref, loss_ref, clu_ref,
           cli_ref):
    i = pl.program_id(0)

    def extract2(x4, sel):
      out = x4[:, 0:D]
      for k in range(1, 4):
        out = jnp.where(sel == k, x4[:, k * D:(k + 1) * D], out)
      return out

    def extract3(x4, sel):
      out = x4[:, :, 0:D]
      for k in range(1, 4):
        out = jnp.where(sel == k, x4[:, :, k * D:(k + 1) * D], out)
      return out

    u = extract2(u_ref[...], su_ref[...])
    pos = extract2(pos_ref[...], sp_ref[...])
    nu = extract2(nu_ref[...], su_ref[...])
    ni = extract2(ni_ref[...], spn_ref[...])
    neg = extract3(neg_ref[...], sn_ref[...][:, :, None])

    def inv_norm(x):
      n2 = jnp.sum(x * x, axis=-1, keepdims=True)
      return 1.0 / jnp.maximum(jnp.sqrt(n2), 1e-12)

    u_n = u * inv_norm(u)
    ypos_ref[...] = jnp.sum(pos * u_n, axis=-1, keepdims=True) * inv_norm(pos)
    neg_dot = jnp.sum(neg * u_n[:, None, :], axis=-1)
    neg_n2 = jnp.sum(neg * neg, axis=-1)
    yneg_ref[...] = neg_dot / jnp.maximum(jnp.sqrt(neg_n2), 1e-12)

    clu_ref[...] = u + jnp.sign(u) * (nu * inv_norm(nu)) * _EPS
    cli_ref[...] = pos + jnp.sign(pos) * (ni * inv_norm(ni)) * _EPS

    part = jnp.sum(u * u) + jnp.sum(pos * pos) + jnp.sum(neg * neg)

    @pl.when(i == 0)
    def _():
      loss_ref[...] = jnp.zeros((1, 1), jnp.float32)

    loss_ref[...] = loss_ref[...] + part

    @pl.when(i == pl.num_programs(0) - 1)
    def _():
      loss_ref[...] = loss_ref[...] * (_DECAY / (2.0 * B))

  return pl.pallas_call(
      body,
      grid=(grid,),
      in_specs=[
          pl.BlockSpec((Bb, 128), lambda i: (i, 0)),
          pl.BlockSpec((Bb, 128), lambda i: (i, 0)),
          pl.BlockSpec((Bb, 128), lambda i: (i, 0)),
          pl.BlockSpec((Bb, 128), lambda i: (i, 0)),
          pl.BlockSpec((Bb, K, 128), lambda i: (i, 0, 0)),
          pl.BlockSpec((Bb, 1), lambda i: (i, 0)),
          pl.BlockSpec((Bb, 1), lambda i: (i, 0)),
          pl.BlockSpec((Bb, 1), lambda i: (i, 0)),
          pl.BlockSpec((Bb, K), lambda i: (i, 0)),
      ],
      out_specs=[
          pl.BlockSpec((Bb, 1), lambda i: (i, 0)),
          pl.BlockSpec((Bb, K), lambda i: (i, 0)),
          pl.BlockSpec((1, 1), lambda i: (0, 0)),
          pl.BlockSpec((Bb, D), lambda i: (i, 0)),
          pl.BlockSpec((Bb, D), lambda i: (i, 0)),
      ],
      out_shape=[
          jax.ShapeDtypeStruct((B, 1), f32),
          jax.ShapeDtypeStruct((B, K), f32),
          jax.ShapeDtypeStruct((1, 1), f32),
          jax.ShapeDtypeStruct((B, D), f32),
          jax.ShapeDtypeStruct((B, D), f32),
      ],
  )(u4, pos4, nu4, ni4, neg4, sel_u, sel_p, sel_pn, sel_n)


def kernel(user_embed, item_embed, noise_u, noise_i, users, pos_items,
           neg_items):
  B = users.shape[0]
  K = neg_items.shape[1]
  D = user_embed.shape[1]
  G = 128 // D

  users = users.astype(jnp.int32)
  pos_items = pos_items.astype(jnp.int32)
  neg_flat = neg_items.astype(jnp.int32).reshape(B * K)

  N4 = user_embed.shape[0] // 4

  item4 = item_embed.reshape(-1, 128)
  pos4, neg4r = _sc_gather_items(item4, pos_items // G, neg_flat // G)

  user4, nu4, ni4 = _tc_relayout3(user_embed, noise_u, noise_i)
  u4, nu4r, ni4r = _sc_gather_users(user4, nu4, ni4, users % N4,
                                    pos_items % N4)

  neg4r = neg4r.reshape(B, K, 128)
  ypos, yneg, loss, cl_u_e, cl_i_e = _tc_score(
      u4, pos4, nu4r, ni4r, neg4r,
      (users // N4)[:, None], (pos_items % G)[:, None],
      (pos_items // N4)[:, None],
      (neg_flat % G).reshape(B, K), B, K, D)

  y_pred = jnp.concatenate([ypos, yneg], axis=1)
  return (y_pred, loss[0, 0], cl_u_e, cl_i_e)

# --- scband reference (transcript-rebuilt; emitter-appended) ---
"""Pipeline reference for scband-mf-89034672046523 (READ-ONLY COPY).

The authoritative reference and input builder live on the scoring server;
editing this copy changes nothing except your own understanding.
"""

import jax, jax.numpy as jnp
import numpy as np

N_USERS = 1000000
N_ITEMS = 1000000
DIM = 32
B = 16384
N_NEGS = 16
DECAY = 1e-4
EPS = 0.03


def _normalize(x, axis=-1, eps=1e-12):
    n = jnp.linalg.norm(x, ord=2, axis=axis, keepdims=True)
    return x / jnp.maximum(n, eps)


def setup_inputs(seed: int = 0) -> dict:
    key = jax.random.key(seed)
    ks = jax.random.split(key, 7)
    # xavier-uniform-ish init for embedding tables (learned params)
    limit = float(np.sqrt(6.0 / (N_USERS + DIM)))
    user_embed = jax.random.uniform(ks[0], (N_USERS, DIM), jnp.float32, -limit, limit)
    limit_i = float(np.sqrt(6.0 / (N_ITEMS + DIM)))
    item_embed = jax.random.uniform(ks[1], (N_ITEMS, DIM), jnp.float32, -limit_i, limit_i)
    users = jax.random.randint(ks[2], (B,), 0, N_USERS, dtype=jnp.int64) if jax.config.jax_enable_x64 else jax.random.randint(ks[2], (B,), 0, N_USERS)
    pos_items = jax.random.randint(ks[3], (B,), 0, N_ITEMS)
    neg_items = jax.random.randint(ks[4], (B, N_NEGS), 0, N_ITEMS)
    # rand_like noise used by add_noise (a constant, not a parameter)
    noise_u = jax.random.uniform(ks[5], (N_USERS, DIM), jnp.float32)
    noise_i = jax.random.uniform(ks[6], (N_ITEMS, DIM), jnp.float32)
    return {
        'user_embed': user_embed,
        'item_embed': item_embed,
        'noise_u': noise_u,
        'noise_i': noise_i,
        'users': users,
        'pos_items': pos_items,
        'neg_items': neg_items,
    }


def _add_noise(emb, noise, eps=EPS):
    return emb + jnp.sign(emb) * _normalize(noise, axis=-1) * eps


def reference(user_embed, item_embed, noise_u, noise_i, users, pos_items, neg_items):
    # cl views over the FULL tables (as in torch forward)
    cl_user_emb = _add_noise(user_embed, noise_u)
    cl_item_emb = _add_noise(item_embed, noise_i)

    # embedding lookups (the SparseCore-relevant gathers)
    u_e_raw = jnp.take(user_embed, users, axis=0)            # [B, D]
    pos_e = jnp.take(item_embed, pos_items, axis=0)          # [B, D]
    neg_e = jnp.take(item_embed, neg_items, axis=0)          # [B, K, D]
    cl_u_e = jnp.take(cl_user_emb, users, axis=0)            # [B, D]
    cl_i_e = jnp.take(cl_item_emb, pos_items, axis=0)        # [B, D]

    # Uniform_loss score computation (u_norm=True, i_norm=True, mess_dropout=False)
    item_e = jnp.concatenate([pos_e[:, None, :], neg_e], axis=1)  # [B, 1+K, D]
    u_e = _normalize(u_e_raw, axis=-1)
    item_n = _normalize(item_e, axis=-1)
    y_pred = jnp.einsum('bkd,bd->bk', item_n, u_e)           # [B, 1+K]

    regularize = (jnp.sum(u_e_raw ** 2) + jnp.sum(pos_e ** 2) + jnp.sum(neg_e ** 2)) / 2.0
    emb_loss = DECAY * regularize / B
    return (y_pred, emb_loss, cl_u_e, cl_i_e)

if __name__ == "__main__":
    import jax
    _d = setup_inputs()
    print(jax.jit(kernel)(*tuple(_d.values())))

</pallas_src>

<mosaic_0001>
#map = affine_map<(d0, d1) -> (0, 0)>
#map1 = affine_map<(d0, d1) -> (0)>
module attributes {stable_mosaic.version = 14 : i64} {
  func.func @gather_kernel(%arg0: i32, %arg1: i32, %arg2: memref<250000x128xf32, #tpu.memory_space<hbm>>, %arg3: memref<250000x128xf32, #tpu.memory_space<hbm>>, %arg4: memref<250000x128xf32, #tpu.memory_space<hbm>>, %arg5: memref<16384xi32, #tpu.memory_space<hbm>>, %arg6: memref<16384xi32, #tpu.memory_space<hbm>>, %arg7: memref<16384x128xf32, #tpu.memory_space<hbm>>, %arg8: memref<16384x128xf32, #tpu.memory_space<hbm>>, %arg9: memref<16384x128xf32, #tpu.memory_space<hbm>>, %arg10: memref<512xi32, #tpu.memory_space<vmem>>, %arg11: memref<512x128xf32, #tpu.memory_space<vmem>>, %arg12: memref<!tpu.dma_semaphore, #tpu.memory_space<semaphore_mem>>) attributes {dimension_semantics = [#tpu.dimension_semantics<core_parallel>, #tpu.dimension_semantics<subcore_parallel>], iteration_bounds = array<i64: 2, 16>, scalar_prefetch = 0 : i64, scratch_operands = 3 : i64, tpu.core_type = #tpu.core_type<sc_vector_subcore>, window_params = [{transform_indices = #map}, {transform_indices = #map}, {transform_indices = #map}, {transform_indices = #map1}, {transform_indices = #map1}, {transform_indices = #map}, {transform_indices = #map}, {transform_indices = #map}]} {
    %mul3A = arith.constant 2 : i32
    %mul3A_0 = arith.muli %arg1, %mul3A : i32
    %add3A = arith.addi %mul3A_0, %arg0 : i32
    %mul3A_1 = arith.constant 512 : i32
    %mul3A_2 = arith.muli %add3A, %mul3A_1 : i32
    "tpu.region"() ({
      %run_scoped3A = tpu.sem_alloc : memref<!tpu.dma_semaphore, #tpu.memory_space<semaphore_mem>>
      %dma_start3A_19 = tpu.memref_slice %arg5[%mul3A_2] : memref<16384xi32, #tpu.memory_space<hbm>> -> memref<512xi32, #tpu.memory_space<hbm>>
      %dma_start3A_20 = tpu.memref_slice %arg5[%mul3A_2] : memref<16384xi32, #tpu.memory_space<hbm>> -> memref<512xi32, #tpu.memory_space<hbm>>
      tpu.enqueue_dma source(%dma_start3A_20 : memref<512xi32, #tpu.memory_space<hbm>>) target(%arg10 : memref<512xi32, #tpu.memory_space<vmem>>) target_semaphore(%run_scoped3A : memref<!tpu.dma_semaphore, #tpu.memory_space<semaphore_mem>>)
      %dma_wait3A_21 = tpu.memref_slice %arg5[%mul3A_2] : memref<16384xi32, #tpu.memory_space<hbm>> -> memref<512xi32, #tpu.memory_space<hbm>>
      %dma_wait3A_22 = tpu.memref_slice %arg5[%mul3A_2] : memref<16384xi32, #tpu.memory_space<hbm>> -> memref<512xi32, #tpu.memory_space<hbm>>
      tpu.wait_dma2 semaphore(%run_scoped3A : memref<!tpu.dma_semaphore, #tpu.memory_space<semaphore_mem>>) src(%dma_wait3A_22 : memref<512xi32, #tpu.memory_space<hbm>>) dst(%arg10 : memref<512xi32, #tpu.memory_space<vmem>>)
      tpu.yield
    }) : () -> ()
    %dma_start3A = arith.constant 0 : i32
    %dma_start3A_3 = arith.constant 0 : i32
    %dma_start3A_4 = tpu.memref_slice %arg2[%dma_start3A, %dma_start3A_3] : memref<250000x128xf32, #tpu.memory_space<hbm>> -> memref<250000x128xf32, #tpu.memory_space<hbm>>
    tpu.enqueue_indirect_dma source(%dma_start3A_4 : memref<250000x128xf32, #tpu.memory_space<hbm>>) target(%arg11 : memref<512x128xf32, #tpu.memory_space<vmem>>) offsets(%arg10 : memref<512xi32, #tpu.memory_space<vmem>>) semaphore(%arg12 : memref<!tpu.dma_semaphore, #tpu.memory_space<semaphore_mem>>)
    %dma_wait3A = arith.constant 0 : i32
    %dma_wait3A_5 = arith.constant 0 : i32
    %dma_wait3A_6 = tpu.memref_slice %arg2[%dma_wait3A, %dma_wait3A_5] : memref<250000x128xf32, #tpu.memory_space<hbm>> -> memref<250000x128xf32, #tpu.memory_space<hbm>>
    tpu.wait_indirect_dma semaphore(%arg12 : memref<!tpu.dma_semaphore, #tpu.memory_space<semaphore_mem>>) src(%dma_wait3A_6 : memref<250000x128xf32, #tpu.memory_space<hbm>>) dst(%arg11 : memref<512x128xf32, #tpu.memory_space<vmem>>)
    "tpu.region"() ({
      %run_scoped3A = tpu.sem_alloc : memref<!tpu.dma_semaphore, #tpu.memory_space<semaphore_mem>>
      %dma_start3A_19 = arith.constant 0 : i32
      %dma_start3A_20 = tpu.memref_slice %arg7[%mul3A_2, %dma_start3A_19] : memref<16384x128xf32, #tpu.memory_space<hbm>> -> memref<512x128xf32, #tpu.memory_space<hbm>>
      %dma_start3A_21 = arith.constant 0 : i32
      %dma_start3A_22 = tpu.memref_slice %arg7[%mul3A_2, %dma_start3A_21] : memref<16384x128xf32, #tpu.memory_space<hbm>> -> memref<512x128xf32, #tpu.memory_space<hbm>>
      tpu.enqueue_dma source(%arg11 : memref<512x128xf32, #tpu.memory_space<vmem>>) target(%dma_start3A_22 : memref<512x128xf32, #tpu.memory_space<hbm>>) target_semaphore(%run_scoped3A : memref<!tpu.dma_semaphore, #tpu.memory_space<semaphore_mem>>)
      %dma_wait3A_23 = arith.constant 0 : i32
      %dma_wait3A_24 = tpu.memref_slice %arg7[%mul3A_2, %dma_wait3A_23] : memref<16384x128xf32, #tpu.memory_space<hbm>> -> memref<512x128xf32, #tpu.memory_space<hbm>>
      %dma_wait3A_25 = arith.constant 0 : i32
      %dma_wait3A_26 = tpu.memref_slice %arg7[%mul3A_2, %dma_wait3A_25] : memref<16384x128xf32, #tpu.memory_space<hbm>> -> memref<512x128xf32, #tpu.memory_space<hbm>>
      tpu.wait_dma2 semaphore(%run_scoped3A : memref<!tpu.dma_semaphore, #tpu.memory_space<semaphore_mem>>) src(%arg11 : memref<512x128xf32, #tpu.memory_space<vmem>>) dst(%dma_wait3A_26 : memref<512x128xf32, #tpu.memory_space<hbm>>)
      tpu.yield
    }) : () -> ()
    %dma_start3A_7 = arith.constant 0 : i32
    %dma_start3A_8 = arith.constant 0 : i32
    %dma_start3A_9 = tpu.memref_slice %arg3[%dma_start3A_7, %dma_start3A_8] : memref<250000x128xf32, #tpu.memory_space<hbm>> -> memref<250000x128xf32, #tpu.memory_space<hbm>>
    tpu.enqueue_indirect_dma source(%dma_start3A_9 : memref<250000x128xf32, #tpu.memory_space<hbm>>) target(%arg11 : memref<512x128xf32, #tpu.memory_space<vmem>>) offsets(%arg10 : memref<512xi32, #tpu.memory_space<vmem>>) semaphore(%arg12 : memref<!tpu.dma_semaphore, #tpu.memory_space<semaphore_mem>>)
    %dma_wait3A_10 = arith.constant 0 : i32
    %dma_wait3A_11 = arith.constant 0 : i32
    %dma_wait3A_12 = tpu.memref_slice %arg3[%dma_wait3A_10, %dma_wait3A_11] : memref<250000x128xf32, #tpu.memory_space<hbm>> -> memref<250000x128xf32, #tpu.memory_space<hbm>>
    tpu.wait_indirect_dma semaphore(%arg12 : memref<!tpu.dma_semaphore, #tpu.memory_space<semaphore_mem>>) src(%dma_wait3A_12 : memref<250000x128xf32, #tpu.memory_space<hbm>>) dst(%arg11 : memref<512x128xf32, #tpu.memory_space<vmem>>)
    "tpu.region"() ({
      %run_scoped3A = tpu.sem_alloc : memref<!tpu.dma_semaphore, #tpu.memory_space<semaphore_mem>>
      %dma_start3A_19 = arith.constant 0 : i32
      %dma_start3A_20 = tpu.memref_slice %arg8[%mul3A_2, %dma_start3A_19] : memref<16384x128xf32, #tpu.memory_space<hbm>> -> memref<512x128xf32, #tpu.memory_space<hbm>>
      %dma_start3A_21 = arith.constant 0 : i32
      %dma_start3A_22 = tpu.memref_slice %arg8[%mul3A_2, %dma_start3A_21] : memref<16384x128xf32, #tpu.memory_space<hbm>> -> memref<512x128xf32, #tpu.memory_space<hbm>>
      tpu.enqueue_dma source(%arg11 : memref<512x128xf32, #tpu.memory_space<vmem>>) target(%dma_start3A_22 : memref<512x128xf32, #tpu.memory_space<hbm>>) target_semaphore(%run_scoped3A : memref<!tpu.dma_semaphore, #tpu.memory_space<semaphore_mem>>)
      %dma_wait3A_23 = arith.constant 0 : i32
      %dma_wait3A_24 = tpu.memref_slice %arg8[%mul3A_2, %dma_wait3A_23] : memref<16384x128xf32, #tpu.memory_space<hbm>> -> memref<512x128xf32, #tpu.memory_space<hbm>>
      %dma_wait3A_25 = arith.constant 0 : i32
      %dma_wait3A_26 = tpu.memref_slice %arg8[%mul3A_2, %dma_wait3A_25] : memref<16384x128xf32, #tpu.memory_space<hbm>> -> memref<512x128xf32, #tpu.memory_space<hbm>>
      tpu.wait_dma2 semaphore(%run_scoped3A : memref<!tpu.dma_semaphore, #tpu.memory_space<semaphore_mem>>) src(%arg11 : memref<512x128xf32, #tpu.memory_space<vmem>>) dst(%dma_wait3A_26 : memref<512x128xf32, #tpu.memory_space<hbm>>)
      tpu.yield
    }) : () -> ()
    "tpu.region"() ({
      %run_scoped3A = tpu.sem_alloc : memref<!tpu.dma_semaphore, #tpu.memory_space<semaphore_mem>>
      %dma_start3A_19 = tpu.memref_slice %arg6[%mul3A_2] : memref<16384xi32, #tpu.memory_space<hbm>> -> memref<512xi32, #tpu.memory_space<hbm>>
      %dma_start3A_20 = tpu.memref_slice %arg6[%mul3A_2] : memref<16384xi32, #tpu.memory_space<hbm>> -> memref<512xi32, #tpu.memory_space<hbm>>
      tpu.enqueue_dma source(%dma_start3A_20 : memref<512xi32, #tpu.memory_space<hbm>>) target(%arg10 : memref<512xi32, #tpu.memory_space<vmem>>) target_semaphore(%run_scoped3A : memref<!tpu.dma_semaphore, #tpu.memory_space<semaphore_mem>>)
      %dma_wait3A_21 = tpu.memref_slice %arg6[%mul3A_2] : memref<16384xi32, #tpu.memory_space<hbm>> -> memref<512xi32, #tpu.memory_space<hbm>>
      %dma_wait3A_22 = tpu.memref_slice %arg6[%mul3A_2] : memref<16384xi32, #tpu.memory_space<hbm>> -> memref<512xi32, #tpu.memory_space<hbm>>
      tpu.wait_dma2 semaphore(%run_scoped3A : memref<!tpu.dma_semaphore, #tpu.memory_space<semaphore_mem>>) src(%dma_wait3A_22 : memref<512xi32, #tpu.memory_space<hbm>>) dst(%arg10 : memref<512xi32, #tpu.memory_space<vmem>>)
      tpu.yield
    }) : () -> ()
    %dma_start3A_13 = arith.constant 0 : i32
    %dma_start3A_14 = arith.constant 0 : i32
    %dma_start3A_15 = tpu.memref_slice %arg4[%dma_start3A_13, %dma_start3A_14] : memref<250000x128xf32, #tpu.memory_space<hbm>> -> memref<250000x128xf32, #tpu.memory_space<hbm>>
    tpu.enqueue_indirect_dma source(%dma_start3A_15 : memref<250000x128xf32, #tpu.memory_space<hbm>>) target(%arg11 : memref<512x128xf32, #tpu.memory_space<vmem>>) offsets(%arg10 : memref<512xi32, #tpu.memory_space<vmem>>) semaphore(%arg12 : memref<!tpu.dma_semaphore, #tpu.memory_space<semaphore_mem>>)
    %dma_wait3A_16 = arith.constant 0 : i32
    %dma_wait3A_17 = arith.constant 0 : i32
    %dma_wait3A_18 = tpu.memref_slice %arg4[%dma_wait3A_16, %dma_wait3A_17] : memref<250000x128xf32, #tpu.memory_space<hbm>> -> memref<250000x128xf32, #tpu.memory_space<hbm>>
    tpu.wait_indirect_dma semaphore(%arg12 : memref<!tpu.dma_semaphore, #tpu.memory_space<semaphore_mem>>) src(%dma_wait3A_18 : memref<250000x128xf32, #tpu.memory_space<hbm>>) dst(%arg11 : memref<512x128xf32, #tpu.memory_space<vmem>>)
    "tpu.region"() ({
      %run_scoped3A = tpu.sem_alloc : memref<!tpu.dma_semaphore, #tpu.memory_space<semaphore_mem>>
      %dma_start3A_19 = arith.constant 0 : i32
      %dma_start3A_20 = tpu.memref_slice %arg9[%mul3A_2, %dma_start3A_19] : memref<16384x128xf32, #tpu.memory_space<hbm>> -> memref<512x128xf32, #tpu.memory_space<hbm>>
      %dma_start3A_21 = arith.constant 0 : i32
      %dma_start3A_22 = tpu.memref_slice %arg9[%mul3A_2, %dma_start3A_21] : memref<16384x128xf32, #tpu.memory_space<hbm>> -> memref<512x128xf32, #tpu.memory_space<hbm>>
      tpu.enqueue_dma source(%arg11 : memref<512x128xf32, #tpu.memory_space<vmem>>) target(%dma_start3A_22 : memref<512x128xf32, #tpu.memory_space<hbm>>) target_semaphore(%run_scoped3A : memref<!tpu.dma_semaphore, #tpu.memory_space<semaphore_mem>>)
      %dma_wait3A_23 = arith.constant 0 : i32
      %dma_wait3A_24 = tpu.memref_slice %arg9[%mul3A_2, %dma_wait3A_23] : memref<16384x128xf32, #tpu.memory_space<hbm>> -> memref<512x128xf32, #tpu.memory_space<hbm>>
      %dma_wait3A_25 = arith.constant 0 : i32
      %dma_wait3A_26 = tpu.memref_slice %arg9[%mul3A_2, %dma_wait3A_25] : memref<16384x128xf32, #tpu.memory_space<hbm>> -> memref<512x128xf32, #tpu.memory_space<hbm>>
      tpu.wait_dma2 semaphore(%run_scoped3A : memref<!tpu.dma_semaphore, #tpu.memory_space<semaphore_mem>>) src(%arg11 : memref<512x128xf32, #tpu.memory_space<vmem>>) dst(%dma_wait3A_26 : memref<512x128xf32, #tpu.memory_space<hbm>>)
      tpu.yield
    }) : () -> ()
    return
  }
}

#map = affine_map<(d0, d1) -> (0, 0)>
#map1 = affine_map<(d0, d1) -> (0)>
module attributes {stable_mosaic.version = 14 : i64} {
  func.func @gather_kernel(%arg0: i32, %arg1: i32, %arg2: memref<250000x128xf32, #tpu.memory_space<hbm>>, %arg3: memref<16384xi32, #tpu.memory_space<hbm>>, %arg4: memref<262144xi32, #tpu.memory_space<hbm>>, %arg5: memref<16384x128xf32, #tpu.memory_space<hbm>>, %arg6: memref<262144x128xf32, #tpu.memory_space<hbm>>, %arg7: memref<512xi32, #tpu.memory_space<vmem>>, %arg8: memref<512x128xf32, #tpu.memory_space<vmem>>, %arg9: memref<!tpu.dma_semaphore, #tpu.memory_space<semaphore_mem>>) attributes {dimension_semantics = [#tpu.dimension_semantics<core_parallel>, #tpu.dimension_semantics<subcore_parallel>], iteration_bounds = array<i64: 2, 16>, scalar_prefetch = 0 : i64, scratch_operands = 3 : i64, tpu.core_type = #tpu.core_type<sc_vector_subcore>, window_params = [{transform_indices = #map}, {transform_indices = #map1}, {transform_indices = #map1}, {transform_indices = #map}, {transform_indices = #map}]} {
    %mul3A = arith.constant 2 : i32
    %mul3A_0 = arith.muli %arg1, %mul3A : i32
    %add3A = arith.addi %mul3A_0, %arg0 : i32
    %mul3A_1 = arith.constant 512 : i32
    %mul3A_2 = arith.muli %add3A, %mul3A_1 : i32
    "tpu.region"() ({
      %run_scoped3A = tpu.sem_alloc : memref<!tpu.dma_semaphore, #tpu.memory_space<semaphore_mem>>
      %dma_start3A_137 = tpu.memref_slice %arg3[%mul3A_2] : memref<16384xi32, #tpu.memory_space<hbm>> -> memref<512xi32, #tpu.memory_space<hbm>>
      %dma_start3A_138 = tpu.memref_slice %arg3[%mul3A_2] : memref<16384xi32, #tpu.memory_space<hbm>> -> memref<512xi32, #tpu.memory_space<hbm>>
      tpu.enqueue_dma source(%dma_start3A_138 : memref<512xi32, #tpu.memory_space<hbm>>) target(%arg7 : memref<512xi32, #tpu.memory_space<vmem>>) target_semaphore(%run_scoped3A : memref<!tpu.dma_semaphore, #tpu.memory_space<semaphore_mem>>)
      %dma_wait3A_139 = tpu.memref_slice %arg3[%mul3A_2] : memref<16384xi32, #tpu.memory_space<hbm>> -> memref<512xi32, #tpu.memory_space<hbm>>
      %dma_wait3A_140 = tpu.memref_slice %arg3[%mul3A_2] : memref<16384xi32, #tpu.memory_space<hbm>> -> memref<512xi32, #tpu.memory_space<hbm>>
      tpu.wait_dma2 semaphore(%run_scoped3A : memref<!tpu.dma_semaphore, #tpu.memory_space<semaphore_mem>>) src(%dma_wait3A_140 : memref<512xi32, #tpu.memory_space<hbm>>) dst(%arg7 : memref<512xi32, #tpu.memory_space<vmem>>)
      tpu.yield
    }) : () -> ()
    %dma_start3A = arith.constant 0 : i32
    %dma_start3A_3 = arith.constant 0 : i32
    %dma_start3A_4 = tpu.memref_slice %arg2[%dma_start3A, %dma_start3A_3] : memref<250000x128xf32, #tpu.memory_space<hbm>> -> memref<250000x128xf32, #tpu.memory_space<hbm>>
    tpu.enqueue_indirect_dma source(%dma_start3A_4 : memref<250000x128xf32, #tpu.memory_space<hbm>>) target(%arg8 : memref<512x128xf32, #tpu.memory_space<vmem>>) offsets(%arg7 : memref<512xi32, #tpu.memory_space<vmem>>) semaphore(%arg9 : memref<!tpu.dma_semaphore, #tpu.memory_space<semaphore_mem>>)
    %dma_wait3A = arith.constant 0 : i32
    %dma_wait3A_5 = arith.constant 0 : i32
    %dma_wait3A_6 = tpu.memref_slice %arg2[%dma_wait3A, %dma_wait3A_5] : memref<250000x128xf32, #tpu.memory_space<hbm>> -> memref<250000x128xf32, #tpu.memory_space<hbm>>
    tpu.wait_indirect_dma semaphore(%arg9 : memref<!tpu.dma_semaphore, #tpu.memory_space<semaphore_mem>>) src(%dma_wait3A_6 : memref<250000x128xf32, #tpu.memory_space<hbm>>) dst(%arg8 : memref<512x128xf32, #tpu.memory_space<vmem>>)
    "tpu.region"() ({
      %run_scoped3A = tpu.sem_alloc : memref<!tpu.dma_semaphore, #tpu.memory_space<semaphore_mem>>
      %dma_start3A_137 = arith.constant 0 : i32
      %dma_start3A_138 = tpu.memref_slice %arg5[%mul3A_2, %dma_start3A_137] : memref<16384x128xf32, #tpu.memory_space<hbm>> -> memref<512x128xf32, #tpu.memory_space<hbm>>
      %dma_start3A_139 = arith.constant 0 : i32
      %dma_start3A_140 = tpu.memref_slice %arg5[%mul3A_2, %dma_start3A_139] : memref<16384x128xf32, #tpu.memory_space<hbm>> -> memref<512x128xf32, #tpu.memory_space<hbm>>
      tpu.enqueue_dma source(%arg8 : memref<512x128xf32, #tpu.memory_space<vmem>>) target(%dma_start3A_140 : memref<512x128xf32, #tpu.memory_space<hbm>>) target_semaphore(%run_scoped3A : memref<!tpu.dma_semaphore, #tpu.memory_space<semaphore_mem>>)
      %dma_wait3A_141 = arith.constant 0 : i32
      %dma_wait3A_142 = tpu.memref_slice %arg5[%mul3A_2, %dma_wait3A_141] : memref<16384x128xf32, #tpu.memory_space<hbm>> -> memref<512x128xf32, #tpu.memory_space<hbm>>
      %dma_wait3A_143 = arith.constant 0 : i32
      %dma_wait3A_144 = tpu.memref_slice %arg5[%mul3A_2, %dma_wait3A_143] : memref<16384x128xf32, #tpu.memory_space<hbm>> -> memref<512x128xf32, #tpu.memory_space<hbm>>
      tpu.wait_dma2 semaphore(%run_scoped3A : memref<!tpu.dma_semaphore, #tpu.memory_space<semaphore_mem>>) src(%arg8 : memref<512x128xf32, #tpu.memory_space<vmem>>) dst(%dma_wait3A_144 : memref<512x128xf32, #tpu.memory_space<hbm>>)
      tpu.yield
    }) : () -> ()
    %mul3A_7 = arith.constant 8192 : i32
    %mul3A_8 = arith.muli %add3A, %mul3A_7 : i32
    %add3A_9 = arith.constant 0 : i32
    %add3A_10 = arith.addi %mul3A_8, %add3A_9 : i32
    "tpu.region"() ({
      %run_scoped3A = tpu.sem_alloc : memref<!tpu.dma_semaphore, #tpu.memory_space<semaphore_mem>>
      %dma_start3A_137 = tpu.memref_slice %arg4[%add3A_10] : memref<262144xi32, #tpu.memory_space<hbm>> -> memref<512xi32, #tpu.memory_space<hbm>>
      %dma_start3A_138 = tpu.memref_slice %arg4[%add3A_10] : memref<262144xi32, #tpu.memory_space<hbm>> -> memref<512xi32, #tpu.memory_space<hbm>>
      tpu.enqueue_dma source(%dma_start3A_138 : memref<512xi32, #tpu.memory_space<hbm>>) target(%arg7 : memref<512xi32, #tpu.memory_space<vmem>>) target_semaphore(%run_scoped3A : memref<!tpu.dma_semaphore, #tpu.memory_space<semaphore_mem>>)
      %dma_wait3A_139 = tpu.memref_slice %arg4[%add3A_10] : memref<262144xi32, #tpu.memory_space<hbm>> -> memref<512xi32, #tpu.memory_space<hbm>>
      %dma_wait3A_140 = tpu.memref_slice %arg4[%add3A_10] : memref<262144xi32, #tpu.memory_space<hbm>> -> memref<512xi32, #tpu.memory_space<hbm>>
      tpu.wait_dma2 semaphore(%run_scoped3A : memref<!tpu.dma_semaphore, #tpu.memory_space<semaphore_mem>>) src(%dma_wait3A_140 : memref<512xi32, #tpu.memory_space<hbm>>) dst(%arg7 : memref<512xi32, #tpu.memory_space<vmem>>)
      tpu.yield
    }) : () -> ()
    %dma_start3A_11 = arith.constant 0 : i32
    %dma_start3A_12 = arith.constant 0 : i32
    %dma_start3A_13 = tpu.memref_slice %arg2[%dma_start3A_11, %dma_start3A_12] : memref<250000x128xf32, #tpu.memory_space<hbm>> -> memref<250000x128xf32, #tpu.memory_space<hbm>>
    tpu.enqueue_indirect_dma source(%dma_start3A_13 : memref<250000x128xf32, #tpu.memory_space<hbm>>) target(%arg8 : memref<512x128xf32, #tpu.memory_space<vmem>>) offsets(%arg7 : memref<512xi32, #tpu.memory_space<vmem>>) semaphore(%arg9 : memref<!tpu.dma_semaphore, #tpu.memory_space<semaphore_mem>>)
    %dma_wait3A_14 = arith.constant 0 : i32
    %dma_wait3A_15 = arith.constant 0 : i32
    %dma_wait3A_16 = tpu.memref_slice %arg2[%dma_wait3A_14, %dma_wait3A_15] : memref<250000x128xf32, #tpu.memory_space<hbm>> -> memref<250000x128xf32, #tpu.memory_space<hbm>>
    tpu.wait_indirect_dma semaphore(%arg9 : memref<!tpu.dma_semaphore, #tpu.memory_space<semaphore_mem>>) src(%dma_wait3A_16 : memref<250000x128xf32, #tpu.memory_space<hbm>>) dst(%arg8 : memref<512x128xf32, #tpu.memory_space<vmem>>)
    "tpu.region"() ({
      %run_scoped3A = tpu.sem_alloc : memref<!tpu.dma_semaphore, #tpu.memory_space<semaphore_mem>>
      %dma_start3A_137 = arith.constant 0 : i32
      %dma_start3A_138 = tpu.memref_slice %arg6[%add3A_10, %dma_start3A_137] : memref<262144x128xf32, #tpu.memory_space<hbm>> -> memref<512x128xf32, #tpu.memory_space<hbm>>
      %dma_start3A_139 = arith.constant 0 : i32
      %dma_start3A_140 = tpu.memref_slice %arg6[%add3A_10, %dma_start3A_139] : memref<262144x128xf32, #tpu.memory_space<hbm>> -> memref<512x128xf32, #tpu.memory_space<hbm>>
      tpu.enqueue_dma source(%arg8 : memref<512x128xf32, #tpu.memory_space<vmem>>) target(%dma_start3A_140 : memref<512x128xf32, #tpu.memory_space<hbm>>) target_semaphore(%run_scoped3A : memref<!tpu.dma_semaphore, #tpu.memory_space<semaphore_mem>>)
      %dma_wait3A_141 = arith.constant 0 : i32
      %dma_wait3A_142 = tpu.memref_slice %arg6[%add3A_10, %dma_wait3A_141] : memref<262144x128xf32, #tpu.memory_space<hbm>> -> memref<512x128xf32, #tpu.memory_space<hbm>>
      %dma_wait3A_143 = arith.constant 0 : i32
      %dma_wait3A_144 = tpu.memref_slice %arg6[%add3A_10, %dma_wait3A_143] : memref<262144x128xf32, #tpu.memory_space<hbm>> -> memref<512x128xf32, #tpu.memory_space<hbm>>
      tpu.wait_dma2 semaphore(%run_scoped3A : memref<!tpu.dma_semaphore, #tpu.memory_space<semaphore_mem>>) src(%arg8 : memref<512x128xf32, #tpu.memory_space<vmem>>) dst(%dma_wait3A_144 : memref<512x128xf32, #tpu.memory_space<hbm>>)
      tpu.yield
    }) : () -> ()
    %add3A_17 = arith.constant 512 : i32
    %add3A_18 = arith.addi %mul3A_8, %add3A_17 : i32
    "tpu.region"() ({
      %run_scoped3A = tpu.sem_alloc : memref<!tpu.dma_semaphore, #tpu.memory_space<semaphore_mem>>
      %dma_start3A_137 = tpu.memref_slice %arg4[%add3A_18] : memref<262144xi32, #tpu.memory_space<hbm>> -> memref<512xi32, #tpu.memory_space<hbm>>
      %dma_start3A_138 = tpu.memref_slice %arg4[%add3A_18] : memref<262144xi32, #tpu.memory_space<hbm>> -> memref<512xi32, #tpu.memory_space<hbm>>
      tpu.enqueue_dma source(%dma_start3A_138 : memref<512xi32, #tpu.memory_space<hbm>>) target(%arg7 : memref<512xi32, #tpu.memory_space<vmem>>) target_semaphore(%run_scoped3A : memref<!tpu.dma_semaphore, #tpu.memory_space<semaphore_mem>>)
      %dma_wait3A_139 = tpu.memref_slice %arg4[%add3A_18] : memref<262144xi32, #tpu.memory_space<hbm>> -> memref<512xi32, #tpu.memory_space<hbm>>
      %dma_wait3A_140 = tpu.memref_slice %arg4[%add3A_18] : memref<262144xi32, #tpu.memory_space<hbm>> -> memref<512xi32, #tpu.memory_space<hbm>>
      tpu.wait_dma2 semaphore(%run_scoped3A : memref<!tpu.dma_semaphore, #tpu.memory_space<semaphore_mem>>) src(%dma_wait3A_140 : memref<512xi32, #tpu.memory_space<hbm>>) dst(%arg7 : memref<512xi32, #tpu.memory_space<vmem>>)
      tpu.yield
    }) : () -> ()
    %dma_start3A_19 = arith.constant 0 : i32
    %dma_start3A_20 = arith.constant 0 : i32
    %dma_start3A_21 = tpu.memref_slice %arg2[%dma_start3A_19, %dma_start3A_20] : memref<250000x128xf32, #tpu.memory_space<hbm>> -> memref<250000x128xf32, #tpu.memory_space<hbm>>
    tpu.enqueue_indirect_dma source(%dma_start3A_21 : memref<250000x128xf32, #tpu.memory_space<hbm>>) target(%arg8 : memref<512x128xf32, #tpu.memory_space<vmem>>) offsets(%arg7 : memref<512xi32, #tpu.memory_space<vmem>>) semaphore(%arg9 : memref<!tpu.dma_semaphore, #tpu.memory_space<semaphore_mem>>)
    %dma_wait3A_22 = arith.constant 0 : i32
    %dma_wait3A_23 = arith.constant 0 : i32
    %dma_wait3A_24 = tpu.memref_slice %arg2[%dma_wait3A_22, %dma_wait3A_23] : memref<250000x128xf32, #tpu.memory_space<hbm>> -> memref<250000x128xf32, #tpu.memory_space<hbm>>
    tpu.wait_indirect_dma semaphore(%arg9 : memref<!tpu.dma_semaphore, #tpu.memory_space<semaphore_mem>>) src(%dma_wait3A_24 : memref<250000x128xf32, #tpu.memory_space<hbm>>) dst(%arg8 : memref<512x128xf32, #tpu.memory_space<vmem>>)
    "tpu.region"() ({
      %run_scoped3A = tpu.sem_alloc : memref<!tpu.dma_semaphore, #tpu.memory_space<semaphore_mem>>
      %dma_start3A_137 = arith.constant 0 : i32
      %dma_start3A_138 = tpu.memref_slice %arg6[%add3A_18, %dma_start3A_137] : memref<262144x128xf32, #tpu.memory_space<hbm>> -> memref<512x128xf32, #tpu.memory_space<hbm>>
      %dma_start3A_139 = arith.constant 0 : i32
      %dma_start3A_140 = tpu.memref_slice %arg6[%add3A_18, %dma_start3A_139] : memref<262144x128xf32, #tpu.memory_space<hbm>> -> memref<512x128xf32, #tpu.memory_space<hbm>>
      tpu.enqueue_dma source(%arg8 : memref<512x128xf32, #tpu.memory_space<vmem>>) target(%dma_start3A_140 : memref<512x128xf32, #tpu.memory_space<hbm>>) target_semaphore(%run_scoped3A : memref<!tpu.dma_semaphore, #tpu.memory_space<semaphore_mem>>)
      %dma_wait3A_141 = arith.constant 0 : i32
      %dma_wait3A_142 = tpu.memref_slice %arg6[%add3A_18, %dma_wait3A_141] : memref<262144x128xf32, #tpu.memory_space<hbm>> -> memref<512x128xf32, #tpu.memory_space<hbm>>
      %dma_wait3A_143 = arith.constant 0 : i32
      %dma_wait3A_144 = tpu.memref_slice %arg6[%add3A_18, %dma_wait3A_143] : memref<262144x128xf32, #tpu.memory_space<hbm>> -> memref<512x128xf32, #tpu.memory_space<hbm>>
      tpu.wait_dma2 semaphore(%run_scoped3A : memref<!tpu.dma_semaphore, #tpu.memory_space<semaphore_mem>>) src(%arg8 : memref<512x128xf32, #tpu.memory_space<vmem>>) dst(%dma_wait3A_144 : memref<512x128xf32, #tpu.memory_space<hbm>>)
      tpu.yield
    }) : () -> ()
    %add3A_25 = arith.constant 1024 : i32
    %add3A_26 = arith.addi %mul3A_8, %add3A_25 : i32
    "tpu.region"() ({
      %run_scoped3A = tpu.sem_alloc : memref<!tpu.dma_semaphore, #tpu.memory_space<semaphore_mem>>
      %dma_start3A_137 = tpu.memref_slice %arg4[%add3A_26] : memref<262144xi32, #tpu.memory_space<hbm>> -> memref<512xi32, #tpu.memory_space<hbm>>
      %dma_start3A_138 = tpu.memref_slice %arg4[%add3A_26] : memref<262144xi32, #tpu.memory_space<hbm>> -> memref<512xi32, #tpu.memory_space<hbm>>
      tpu.enqueue_dma source(%dma_start3A_138 : memref<512xi32, #tpu.memory_space<hbm>>) target(%arg7 : memref<512xi32, #tpu.memory_space<vmem>>) target_semaphore(%run_scoped3A : memref<!tpu.dma_semaphore, #tpu.memory_space<semaphore_mem>>)
      %dma_wait3A_139 = tpu.memref_slice %arg4[%add3A_26] : memref<262144xi32, #tpu.memory_space<hbm>> -> memref<512xi32, #tpu.memory_space<hbm>>
      %dma_wait3A_140 = tpu.memref_slice %arg4[%add3A_26] : memref<262144xi32, #tpu.memory_space<hbm>> -> memref<512xi32, #tpu.memory_space<hbm>>
      tpu.wait_dma2 semaphore(%run_scoped3A : memref<!tpu.dma_semaphore, #tpu.memory_space<semaphore_mem>>) src(%dma_wait3A_140 : memref<512xi32, #tpu.memory_space<hbm>>) dst(%arg7 : memref<512xi32, #tpu.memory_space<vmem>>)
      tpu.yield
    }) : () -> ()
    %dma_start3A_27 = arith.constant 0 : i32
    %dma_start3A_28 = arith.constant 0 : i32
    %dma_start3A_29 = tpu.memref_slice %arg2[%dma_start3A_27, %dma_start3A_28] : memref<250000x128xf32, #tpu.memory_space<hbm>> -> memref<250000x128xf32, #tpu.memory_space<hbm>>
    tpu.enqueue_indirect_dma source(%dma_start3A_29 : memref<250000x128xf32, #tpu.memory_space<hbm>>) target(%arg8 : memref<512x128xf32, #tpu.memory_space<vmem>>) offsets(%arg7 : memref<512xi32, #tpu.memory_space<vmem>>) semaphore(%arg9 : memref<!tpu.dma_semaphore, #tpu.memory_space<semaphore_mem>>)
    %dma_wait3A_30 = arith.constant 0 : i32
    %dma_wait3A_31 = arith.constant 0 : i32
    %dma_wait3A_32 = tpu.memref_slice %arg2[%dma_wait3A_30, %dma_wait3A_31] : memref<250000x128xf32, #tpu.memory_space<hbm>> -> memref<250000x128xf32, #tpu.memory_space<hbm>>
    tpu.wait_indirect_dma semaphore(%arg9 : memref<!tpu.dma_semaphore, #tpu.memory_space<semaphore_mem>>) src(%dma_wait3A_32 : memref<250000x128xf32, #tpu.memory_space<hbm>>) dst(%arg8 : memref<512x128xf32, #tpu.memory_space<vmem>>)
    "tpu.region"() ({
      %run_scoped3A = tpu.sem_alloc : memref<!tpu.dma_semaphore, #tpu.memory_space<semaphore_mem>>
      %dma_start3A_137 = arith.constant 0 : i32
      %dma_start3A_138 = tpu.memref_slice %arg6[%add3A_26, %dma_start3A_137] : memref<262144x128xf32, #tpu.memory_space<hbm>> -> memref<512x128xf32, #tpu.memory_space<hbm>>
      %dma_start3A_139 = arith.constant 0 : i32
      %dma_start3A_140 = tpu.memref_slice %arg6[%add3A_26, %dma_start3A_139] : memref<262144x128xf32, #tpu.memory_space<hbm>> -> memref<512x128xf32, #tpu.memory_space<hbm>>
      tpu.enqueue_dma source(%arg8 : memref<512x128xf32, #tpu.memory_space<vmem>>) target(%dma_start3A_140 : memref<512x128xf32, #tpu.memory_space<hbm>>) target_semaphore(%run_scoped3A : memref<!tpu.dma_semaphore, #tpu.memory_space<semaphore_mem>>)
      %dma_wait3A_141 = arith.constant 0 : i32
      %dma_wait3A_142 = tpu.memref_slice %arg6[%add3A_26, %dma_wait3A_141] : memref<262144x128xf32, #tpu.memory_space<hbm>> -> memref<512x128xf32, #tpu.memory_space<hbm>>
      %dma_wait3A_143 = arith.constant 0 : i32
      %dma_wait3A_144 = tpu.memref_slice %arg6[%add3A_26, %dma_wait3A_143] : memref<262144x128xf32, #tpu.memory_space<hbm>> -> memref<512x128xf32, #tpu.memory_space<hbm>>
      tpu.wait_dma2 semaphore(%run_scoped3A : memref<!tpu.dma_semaphore, #tpu.memory_space<semaphore_mem>>) src(%arg8 : memref<512x128xf32, #tpu.memory_space<vmem>>) dst(%dma_wait3A_144 : memref<512x128xf32, #tpu.memory_space<hbm>>)
      tpu.yield
    }) : () -> ()
    %add3A_33 = arith.constant 1536 : i32
    %add3A_34 = arith.addi %mul3A_8, %add3A_33 : i32
    "tpu.region"() ({
      %run_scoped3A = tpu.sem_alloc : memref<!tpu.dma_semaphore, #tpu.memory_space<semaphore_mem>>
      %dma_start3A_137 = tpu.memref_slice %arg4[%add3A_34] : memref<262144xi32, #tpu.memory_space<hbm>> -> memref<512xi32, #tpu.memory_space<hbm>>
      %dma_start3A_138 = tpu.memref_slice %arg4[%add3A_34] : memref<262144xi32, #tpu.memory_space<hbm>> -> memref<512xi32, #tpu.memory_space<hbm>>
      tpu.enqueue_dma source(%dma_start3A_138 : memref<512xi32, #tpu.memory_space<hbm>>) target(%arg7 : memref<512xi32, #tpu.memory_space<vmem>>) target_semaphore(%run_scoped3A : memref<!tpu.dma_semaphore, #tpu.memory_space<semaphore_mem>>)
      %dma_wait3A_139 = tpu.memref_slice %arg4[%add3A_34] : memref<262144xi32, #tpu.memory_space<hbm>> -> memref<512xi32, #tpu.memory_space<hbm>>
      %dma_wait3A_140 = tpu.memref_slice %arg4[%add3A_34] : memref<262144xi32, #tpu.memory_space<hbm>> -> memref<512xi32, #tpu.memory_space<hbm>>
      tpu.wait_dma2 semaphore(%run_scoped3A : memref<!tpu.dma_semaphore, #tpu.memory_space<semaphore_mem>>) src(%dma_wait3A_140 : memref<512xi32, #tpu.memory_space<hbm>>) dst(%arg7 : memref<512xi32, #tpu.memory_space<vmem>>)
      tpu.yield
    }) : () -> ()
    %dma_start3A_35 = arith.constant 0 : i32
    %dma_start3A_36 = arith.constant 0 : i32
    %dma_start3A_37 = tpu.memref_slice %arg2[%dma_start3A_35, %dma_start3A_36] : memref<250000x128xf32, #tpu.memory_space<hbm>> -> memref<250000x128xf32, #tpu.memory_space<hbm>>
    tpu.enqueue_indirect_dma source(%dma_start3A_37 : memref<250000x128xf32, #tpu.memory_space<hbm>>) target(%arg8 : memref<512x128xf32, #tpu.memory_space<vmem>>) offsets(%arg7 : memref<512xi32, #tpu.memory_space<vmem>>) semaphore(%arg9 : memref<!tpu.dma_semaphore, #tpu.memory_space<semaphore_mem>>)
    %dma_wait3A_38 = arith.constant 0 : i32
    %dma_wait3A_39 = arith.constant 0 : i32
    %dma_wait3A_40 = tpu.memref_slice %arg2[%dma_wait3A_38, %dma_wait3A_39] : memref<250000x128xf32, #tpu.memory_space<hbm>> -> memref<250000x128xf32, #tpu.memory_space<hbm>>
    tpu.wait_indirect_dma semaphore(%arg9 : memref<!tpu.dma_semaphore, #tpu.memory_space<semaphore_mem>>) src(%dma_wait3A_40 : memref<250000x128xf32, #tpu.memory_space<hbm>>) dst(%arg8 : memref<512x128xf32, #tpu.memory_space<vmem>>)
    "tpu.region"() ({
      %run_scoped3A = tpu.sem_alloc : memref<!tpu.dma_semaphore, #tpu.memory_space<semaphore_mem>>
      %dma_start3A_137 = arith.constant 0 : i32
      %dma_start3A_138 = tpu.memref_slice %arg6[%add3A_34, %dma_start3A_137] : memref<262144x128xf32, #tpu.memory_space<hbm>> -> memref<512x128xf32, #tpu.memory_space<hbm>>
      %dma_start3A_139 = arith.constant 0 : i32
      %dma_start3A_140 = tpu.memref_slice %arg6[%add3A_34, %dma_start3A_139] : memref<262144x128xf32, #tpu.memory_space<hbm>> -> memref<512x128xf32, #tpu.memory_space<hbm>>
      tpu.enqueue_dma source(%arg8 : memref<512x128xf32, #tpu.memory_space<vmem>>) target(%dma_start3A_140 : memref<512x128xf32, #tpu.memory_space<hbm>>) target_semaphore(%run_scoped3A : memref<!tpu.dma_semaphore, #tpu.memory_space<semaphore_mem>>)
      %dma_wait3A_141 = arith.constant 0 : i32
      %dma_wait3A_142 = tpu.memref_slice %arg6[%add3A_34, %dma_wait3A_141] : memref<262144x128xf32, #tpu.memory_space<hbm>> -> memref<512x128xf32, #tpu.memory_space<hbm>>
      %dma_wait3A_143 = arith.constant 0 : i32
      %dma_wait3A_144 = tpu.memref_slice %arg6[%add3A_34, %dma_wait3A_143] : memref<262144x128xf32, #tpu.memory_space<hbm>> -> memref<512x128xf32, #tpu.memory_space<hbm>>
      tpu.wait_dma2 semaphore(%run_scoped3A : memref<!tpu.dma_semaphore, #tpu.memory_space<semaphore_mem>>) src(%arg8 : memref<512x128xf32, #tpu.memory_space<vmem>>) dst(%dma_wait3A_144 : memref<512x128xf32, #tpu.memory_space<hbm>>)
      tpu.yield
    }) : () -> ()
    %add3A_41 = arith.constant 2048 : i32
    %add3A_42 = arith.addi %mul3A_8, %add3A_41 : i32
    "tpu.region"() ({
      %run_scoped3A = tpu.sem_alloc : memref<!tpu.dma_semaphore, #tpu.memory_space<semaphore_mem>>
      %dma_start3A_137 = tpu.memref_slice %arg4[%add3A_42] : memref<262144xi32, #tpu.memory_space<hbm>> -> memref<512xi32, #tpu.memory_space<hbm>>
      %dma_start3A_138 = tpu.memref_slice %arg4[%add3A_42] : memref<262144xi32, #tpu.memory_space<hbm>> -> memref<512xi32, #tpu.memory_space<hbm>>
      tpu.enqueue_dma source(%dma_start3A_138 : memref<512xi32, #tpu.memory_space<hbm>>) target(%arg7 : memref<512xi32, #tpu.memory_space<vmem>>) target_semaphore(%run_scoped3A : memref<!tpu.dma_semaphore, #tpu.memory_space<semaphore_mem>>)
      %dma_wait3A_139 = tpu.memref_slice %arg4[%add3A_42] : memref<262144xi32, #tpu.memory_space<hbm>> -> memref<512xi32, #tpu.memory_space<hbm>>
      %dma_wait3A_140 = tpu.memref_slice %arg4[%add3A_42] : memref<262144xi32, #tpu.memory_space<hbm>> -> memref<512xi32, #tpu.memory_space<hbm>>
      tpu.wait_dma2 semaphore(%run_scoped3A : memref<!tpu.dma_semaphore, #tpu.memory_space<semaphore_mem>>) src(%dma_wait3A_140 : memref<512xi32, #tpu.memory_space<hbm>>) dst(%arg7 : memref<512xi32, #tpu.memory_space<vmem>>)
      tpu.yield
    }) : () -> ()
    %dma_start3A_43 = arith.constant 0 : i32
    %dma_start3A_44 = arith.constant 0 : i32
    %dma_start3A_45 = tpu.memref_slice %arg2[%dma_start3A_43, %dma_start3A_44] : memref<250000x128xf32, #tpu.memory_space<hbm>> -> memref<250000x128xf32, #tpu.memory_space<hbm>>
    tpu.enqueue_indirect_dma source(%dma_start3A_45 : memref<250000x128xf32, #tpu.memory_space<hbm>>) target(%arg8 : memref<512x128xf32, #tpu.memory_space<vmem>>) offsets(%arg7 : memref<512xi32, #tpu.memory_space<vmem>>) semaphore(%arg9 : memref<!tpu.dma_semaphore, #tpu.memory_space<semaphore_mem>>)
    %dma_wait3A_46 = arith.constant 0 : i32
    %dma_wait3A_47 = arith.constant 0 : i32
    %dma_wait3A_48 = tpu.memref_slice %arg2[%dma_wait3A_46, %dma_wait3A_47] : memref<250000x128xf32, #tpu.memory_space<hbm>> -> memref<250000x128xf32, #tpu.memory_space<hbm>>
    tpu.wait_indirect_dma semaphore(%arg9 : memref<!tpu.dma_semaphore, #tpu.memory_space<semaphore_mem>>) src(%dma_wait3A_48 : memref<250000x128xf32, #tpu.memory_space<hbm>>) dst(%arg8 : memref<512x128xf32, #tpu.memory_space<vmem>>)
    "tpu.region"() ({
      %run_scoped3A = tpu.sem_alloc : memref<!tpu.dma_semaphore, #tpu.memory_space<semaphore_mem>>
      %dma_start3A_137 = arith.constant 0 : i32
      %dma_start3A_138 = tpu.memref_slice %arg6[%add3A_42, %dma_start3A_137] : memref<262144x128xf32, #tpu.memory_space<hbm>> -> memref<512x128xf32, #tpu.memory_space<hbm>>
      %dma_start3A_139 = arith.constant 0 : i32
      %dma_start3A_140 = tpu.memref_slice %arg6[%add3A_42, %dma_start3A_139] : memref<262144x128xf32, #tpu.memory_space<hbm>> -> memref<512x128xf32, #tpu.memory_space<hbm>>
      tpu.enqueue_dma source(%arg8 : memref<512x128xf32, #tpu.memory_space<vmem>>) target(%dma_start3A_140 : memref<512x128xf32, #tpu.memory_space<hbm>>) target_semaphore(%run_scoped3A : memref<!tpu.dma_semaphore, #tpu.memory_space<semaphore_mem>>)
      %dma_wait3A_141 = arith.constant 0 : i32
      %dma_wait3A_142 = tpu.memref_slice %arg6[%add3A_42, %dma_wait3A_141] : memref<262144x128xf32, #tpu.memory_space<hbm>> -> memref<512x128xf32, #tpu.memory_space<hbm>>
      %dma_wait3A_143 = arith.constant 0 : i32
      %dma_wait3A_144 = tpu.memref_slice %arg6[%add3A_42, %dma_wait3A_143] : memref<262144x128xf32, #tpu.memory_space<hbm>> -> memref<512x128xf32, #tpu.memory_space<hbm>>
      tpu.wait_dma2 semaphore(%run_scoped3A : memref<!tpu.dma_semaphore, #tpu.memory_space<semaphore_mem>>) src(%arg8 : memref<512x128xf32, #tpu.memory_space<vmem>>) dst(%dma_wait3A_144 : memref<512x128xf32, #tpu.memory_space<hbm>>)
      tpu.yield
    }) : () -> ()
    %add3A_49 = arith.constant 2560 : i32
    %add3A_50 = arith.addi %mul3A_8, %add3A_49 : i32
    "tpu.region"() ({
      %run_scoped3A = tpu.sem_alloc : memref<!tpu.dma_semaphore, #tpu.memory_space<semaphore_mem>>
      %dma_start3A_137 = tpu.memref_slice %arg4[%add3A_50] : memref<262144xi32, #tpu.memory_space<hbm>> -> memref<512xi32, #tpu.memory_space<hbm>>
      %dma_start3A_138 = tpu.memref_slice %arg4[%add3A_50] : memref<262144xi32, #tpu.memory_space<hbm>> -> memref<512xi32, #tpu.memory_space<hbm>>
      tpu.enqueue_dma source(%dma_start3A_138 : memref<512xi32, #tpu.memory_space<hbm>>) target(%arg7 : memref<512xi32, #tpu.memory_space<vmem>>) target_semaphore(%run_scoped3A : memref<!tpu.dma_semaphore, #tpu.memory_space<semaphore_mem>>)
      %dma_wait3A_139 = tpu.memref_slice %arg4[%add3A_50] : memref<262144xi32, #tpu.memory_space<hbm>> -> memref<512xi32, #tpu.memory_space<hbm>>
      %dma_wait3A_140 = tpu.memref_slice %arg4[%add3A_50] : memref<262144xi32, #tpu.memory_space<hbm>> -> memref<512xi32, #tpu.memory_space<hbm>>
      tpu.wait_dma2 semaphore(%run_scoped3A : memref<!tpu.dma_semaphore, #tpu.memory_space<semaphore_mem>>) src(%dma_wait3A_140 : memref<512xi32, #tpu.memory_space<hbm>>) dst(%arg7 : memref<512xi32, #tpu.memory_space<vmem>>)
      tpu.yield
    }) : () -> ()
    %dma_start3A_51 = arith.constant 0 : i32
    %dma_start3A_52 = arith.constant 0 : i32
    %dma_start3A_53 = tpu.memref_slice %arg2[%dma_start3A_51, %dma_start3A_52] : memref<250000x128xf32, #tpu.memory_space<hbm>> -> memref<250000x128xf32, #tpu.memory_space<hbm>>
    tpu.enqueue_indirect_dma source(%dma_start3A_53 : memref<250000x128xf32, #tpu.memory_space<hbm>>) target(%arg8 : memref<512x128xf32, #tpu.memory_space<vmem>>) offsets(%arg7 : memref<512xi32, #tpu.memory_space<vmem>>) semaphore(%arg9 : memref<!tpu.dma_semaphore, #tpu.memory_space<semaphore_mem>>)
    %dma_wait3A_54 = arith.constant 0 : i32
    %dma_wait3A_55 = arith.constant 0 : i32
    %dma_wait3A_56 = tpu.memref_slice %arg2[%dma_wait3A_54, %dma_wait3A_55] : memref<250000x128xf32, #tpu.memory_space<hbm>> -> memref<250000x128xf32, #tpu.memory_space<hbm>>
    tpu.wait_indirect_dma semaphore(%arg9 : memref<!tpu.dma_semaphore, #tpu.memory_space<semaphore_mem>>) src(%dma_wait3A_56 : memref<250000x128xf32, #tpu.memory_space<hbm>>) dst(%arg8 : memref<512x128xf32, #tpu.memory_space<vmem>>)
    "tpu.region"() ({
      %run_scoped3A = tpu.sem_alloc : memref<!tpu.dma_semaphore, #tpu.memory_space<semaphore_mem>>
      %dma_start3A_137 = arith.constant 0 : i32
      %dma_start3A_138 = tpu.memref_slice %arg6[%add3A_50, %dma_start3A_137] : memref<262144x128xf32, #tpu.memory_space<hbm>> -> memref<512x128xf32, #tpu.memory_space<hbm>>
      %dma_start3A_139 = arith.constant 0 : i32
      %dma_start3A_140 = tpu.memref_slice %arg6[%add3A_50, %dma_start3A_139] : memref<262144x128xf32, #tpu.memory_space<hbm>> -> memref<512x128xf32, #tpu.memory_space<hbm>>
      tpu.enqueue_dma source(%arg8 : memref<512x128xf32, #tpu.memory_space<vmem>>) target(%dma_start3A_140 : memref<512x128xf32, #tpu.memory_space<hbm>>) target_semaphore(%run_scoped3A : memref<!tpu.dma_semaphore, #tpu.memory_space<semaphore_mem>>)
      %dma_wait3A_141 = arith.constant 0 : i32
      %dma_wait3A_142 = tpu.memref_slice %arg6[%add3A_50, %dma_wait3A_141] : memref<262144x128xf32, #tpu.memory_space<hbm>> -> memref<512x128xf32, #tpu.memory_space<hbm>>
      %dma_wait3A_143 = arith.constant 0 : i32
      %dma_wait3A_144 = tpu.memref_slice %arg6[%add3A_50, %dma_wait3A_143] : memref<262144x128xf32, #tpu.memory_space<hbm>> -> memref<512x128xf32, #tpu.memory_space<hbm>>
      tpu.wait_dma2 semaphore(%run_scoped3A : memref<!tpu.dma_semaphore, #tpu.memory_space<semaphore_mem>>) src(%arg8 : memref<512x128xf32, #tpu.memory_space<vmem>>) dst(%dma_wait3A_144 : memref<512x128xf32, #tpu.memory_space<hbm>>)
      tpu.yield
    }) : () -> ()
    %add3A_57 = arith.constant 3072 : i32
    %add3A_58 = arith.addi %mul3A_8, %add3A_57 : i32
    "tpu.region"() ({
      %run_scoped3A = tpu.sem_alloc : memref<!tpu.dma_semaphore, #tpu.memory_space<semaphore_mem>>
      %dma_start3A_137 = tpu.memref_slice %arg4[%add3A_58] : memref<262144xi32, #tpu.memory_space<hbm>> -> memref<512xi32, #tpu.memory_space<hbm>>
      %dma_start3A_138 = tpu.memref_slice %arg4[%add3A_58] : memref<262144xi32, #tpu.memory_space<hbm>> -> memref<512xi32, #tpu.memory_space<hbm>>
      tpu.enqueue_dma source(%dma_start3A_138 : memref<512xi32, #tpu.memory_space<hbm>>) target(%arg7 : memref<512xi32, #tpu.memory_space<vmem>>) target_semaphore(%run_scoped3A : memref<!tpu.dma_semaphore, #tpu.memory_space<semaphore_mem>>)
      %dma_wait3A_139 = tpu.memref_slice %arg4[%add3A_58] : memref<262144xi32, #tpu.memory_space<hbm>> -> memref<512xi32, #tpu.memory_space<hbm>>
      %dma_wait3A_140 = tpu.memref_slice %arg4[%add3A_58] : memref<262144xi32, #tpu.memory_space<hbm>> -> memref<512xi32, #tpu.memory_space<hbm>>
      tpu.wait_dma2 semaphore(%run_scoped3A : memref<!tpu.dma_semaphore, #tpu.memory_space<semaphore_mem>>) src(%dma_wait3A_140 : memref<512xi32, #tpu.memory_space<hbm>>) dst(%arg7 : memref<512xi32, #tpu.memory_space<vmem>>)
      tpu.yield
    }) : () -> ()
    %dma_start3A_59 = arith.constant 0 : i32
    %dma_start3A_60 = arith.constant 0 : i32
    %dma_start3A_61 = tpu.memref_slice %arg2[%dma_start3A_59, %dma_start3A_60] : memref<250000x128xf32, #tpu.memory_space<hbm>> -> memref<250000x128xf32, #tpu.memory_space<hbm>>
    tpu.enqueue_indirect_dma source(%dma_start3A_61 : memref<250000x128xf32, #tpu.memory_space<hbm>>) target(%arg8 : memref<512x128xf32, #tpu.memory_space<vmem>>) offsets(%arg7 : memref<512xi32, #tpu.memory_space<vmem>>) semaphore(%arg9 : memref<!tpu.dma_semaphore, #tpu.memory_space<semaphore_mem>>)
    %dma_wait3A_62 = arith.constant 0 : i32
    %dma_wait3A_63 = arith.constant 0 : i32
    %dma_wait3A_64 = tpu.memref_slice %arg2[%dma_wait3A_62, %dma_wait3A_63] : memref<250000x128xf32, #tpu.memory_space<hbm>> -> memref<250000x128xf32, #tpu.memory_space<hbm>>
    tpu.wait_indirect_dma semaphore(%arg9 : memref<!tpu.dma_semaphore, #tpu.memory_space<semaphore_mem>>) src(%dma_wait3A_64 : memref<250000x128xf32, #tpu.memory_space<hbm>>) dst(%arg8 : memref<512x128xf32, #tpu.memory_space<vmem>>)
    "tpu.region"() ({
      %run_scoped3A = tpu.sem_alloc : memref<!tpu.dma_semaphore, #tpu.memory_space<semaphore_mem>>
      %dma_start3A_137 = arith.constant 0 : i32
      %dma_start3A_138 = tpu.memref_slice %arg6[%add3A_58, %dma_start3A_137] : memref<262144x128xf32, #tpu.memory_space<hbm>> -> memref<512x128xf32, #tpu.memory_space<hbm>>
      %dma_start3A_139 = arith.constant 0 : i32
      %dma_start3A_140 = tpu.memref_slice %arg6[%add3A_58, %dma_start3A_139] : memref<262144x128xf32, #tpu.memory_space<hbm>> -> memref<512x128xf32, #tpu.memory_space<hbm>>
      tpu.enqueue_dma source(%arg8 : memref<512x128xf32, #tpu.memory_space<vmem>>) target(%dma_start3A_140 : memref<512x128xf32, #tpu.memory_space<hbm>>) target_semaphore(%run_scoped3A : memref<!tpu.dma_semaphore, #tpu.memory_space<semaphore_mem>>)
      %dma_wait3A_141 = arith.constant 0 : i32
      %dma_wait3A_142 = tpu.memref_slice %arg6[%add3A_58, %dma_wait3A_141] : memref<262144x128xf32, #tpu.memory_space<hbm>> -> memref<512x128xf32, #tpu.memory_space<hbm>>
      %dma_wait3A_143 = arith.constant 0 : i32
      %dma_wait3A_144 = tpu.memref_slice %arg6[%add3A_58, %dma_wait3A_143] : memref<262144x128xf32, #tpu.memory_space<hbm>> -> memref<512x128xf32, #tpu.memory_space<hbm>>
      tpu.wait_dma2 semaphore(%run_scoped3A : memref<!tpu.dma_semaphore, #tpu.memory_space<semaphore_mem>>) src(%arg8 : memref<512x128xf32, #tpu.memory_space<vmem>>) dst(%dma_wait3A_144 : memref<512x128xf32, #tpu.memory_space<hbm>>)
      tpu.yield
    }) : () -> ()
    %add3A_65 = arith.constant 3584 : i32
    %add3A_66 = arith.addi %mul3A_8, %add3A_65 : i32
    "tpu.region"() ({
      %run_scoped3A = tpu.sem_alloc : memref<!tpu.dma_semaphore, #tpu.memory_space<semaphore_mem>>
      %dma_start3A_137 = tpu.memref_slice %arg4[%add3A_66] : memref<262144xi32, #tpu.memory_space<hbm>> -> memref<512xi32, #tpu.memory_space<hbm>>
      %dma_start3A_138 = tpu.memref_slice %arg4[%add3A_66] : memref<262144xi32, #tpu.memory_space<hbm>> -> memref<512xi32, #tpu.memory_space<hbm>>
      tpu.enqueue_dma source(%dma_start3A_138 : memref<512xi32, #tpu.memory_space<hbm>>) target(%arg7 : memref<512xi32, #tpu.memory_space<vmem>>) target_semaphore(%run_scoped3A : memref<!tpu.dma_semaphore, #tpu.memory_space<semaphore_mem>>)
      %dma_wait3A_139 = tpu.memref_slice %arg4[%add3A_66] : memref<262144xi32, #tpu.memory_space<hbm>> -> memref<512xi32, #tpu.memory_space<hbm>>
      %dma_wait3A_140 = tpu.memref_slice %arg4[%add3A_66] : memref<262144xi32, #tpu.memory_space<hbm>> -> memref<512xi32, #tpu.memory_space<hbm>>
      tpu.wait_dma2 semaphore(%run_scoped3A : memref<!tpu.dma_semaphore, #tpu.memory_space<semaphore_mem>>) src(%dma_wait3A_140 : memref<512xi32, #tpu.memory_space<hbm>>) dst(%arg7 : memref<512xi32, #tpu.memory_space<vmem>>)
      tpu.yield
    }) : () -> ()
    %dma_start3A_67 = arith.constant 0 : i32
    %dma_start3A_68 = arith.constant 0 : i32
    %dma_start3A_69 = tpu.memref_slice %arg2[%dma_start3A_67, %dma_start3A_68] : memref<250000x128xf32, #tpu.memory_space<hbm>> -> memref<250000x128xf32, #tpu.memory_space<hbm>>
    tpu.enqueue_indirect_dma source(%dma_start3A_69 : memref<250000x128xf32, #tpu.memory_space<hbm>>) target(%arg8 : memref<512x128xf32, #tpu.memory_space<vmem>>) offsets(%arg7 : memref<512xi32, #tpu.memory_space<vmem>>) semaphore(%arg9 : memref<!tpu.dma_semaphore, #tpu.memory_space<semaphore_mem>>)
    %dma_wait3A_70 = arith.constant 0 : i32
    %dma_wait3A_71 = arith.constant 0 : i32
    %dma_wait3A_72 = tpu.memref_slice %arg2[%dma_wait3A_70, %dma_wait3A_71] : memref<250000x128xf32, #tpu.memory_space<hbm>> -> memref<250000x128xf32, #tpu.memory_space<hbm>>
    tpu.wait_indirect_dma semaphore(%arg9 : memref<!tpu.dma_semaphore, #tpu.memory_space<semaphore_mem>>) src(%dma_wait3A_72 : memref<250000x128xf32, #tpu.memory_space<hbm>>) dst(%arg8 : memref<512x128xf32, #tpu.memory_space<vmem>>)
    "tpu.region"() ({
      %run_scoped3A = tpu.sem_alloc : memref<!tpu.dma_semaphore, #tpu.memory_space<semaphore_mem>>
      %dma_start3A_137 = arith.constant 0 : i32
      %dma_start3A_138 = tpu.memref_slice %arg6[%add3A_66, %dma_start3A_137] : memref<262144x128xf32, #tpu.memory_space<hbm>> -> memref<512x128xf32, #tpu.memory_space<hbm>>
      %dma_start3A_139 = arith.constant 0 : i32
      %dma_start3A_140 = tpu.memref_slice %arg6[%add3A_66, %dma_start3A_139] : memref<262144x128xf32, #tpu.memory_space<hbm>> -> memref<512x128xf32, #tpu.memory_space<hbm>>
      tpu.enqueue_dma source(%arg8 : memref<512x128xf32, #tpu.memory_space<vmem>>) target(%dma_start3A_140 : memref<512x128xf32, #tpu.memory_space<hbm>>) target_semaphore(%run_scoped3A : memref<!tpu.dma_semaphore, #tpu.memory_space<semaphore_mem>>)
      %dma_wait3A_141 = arith.constant 0 : i32
      %dma_wait3A_142 = tpu.memref_slice %arg6[%add3A_66, %dma_wait3A_141] : memref<262144x128xf32, #tpu.memory_space<hbm>> -> memref<512x128xf32, #tpu.memory_space<hbm>>
      %dma_wait3A_143 = arith.constant 0 : i32
      %dma_wait3A_144 = tpu.memref_slice %arg6[%add3A_66, %dma_wait3A_143] : memref<262144x128xf32, #tpu.memory_space<hbm>> -> memref<512x128xf32, #tpu.memory_space<hbm>>
      tpu.wait_dma2 semaphore(%run_scoped3A : memref<!tpu.dma_semaphore, #tpu.memory_space<semaphore_mem>>) src(%arg8 : memref<512x128xf32, #tpu.memory_space<vmem>>) dst(%dma_wait3A_144 : memref<512x128xf32, #tpu.memory_space<hbm>>)
      tpu.yield
    }) : () -> ()
    %add3A_73 = arith.constant 4096 : i32
    %add3A_74 = arith.addi %mul3A_8, %add3A_73 : i32
    "tpu.region"() ({
      %run_scoped3A = tpu.sem_alloc : memref<!tpu.dma_semaphore, #tpu.memory_space<semaphore_mem>>
      %dma_start3A_137 = tpu.memref_slice %arg4[%add3A_74] : memref<262144xi32, #tpu.memory_space<hbm>> -> memref<512xi32, #tpu.memory_space<hbm>>
      %dma_start3A_138 = tpu.memref_slice %arg4[%add3A_74] : memref<262144xi32, #tpu.memory_space<hbm>> -> memref<512xi32, #tpu.memory_space<hbm>>
      tpu.enqueue_dma source(%dma_start3A_138 : memref<512xi32, #tpu.memory_space<hbm>>) target(%arg7 : memref<512xi32, #tpu.memory_space<vmem>>) target_semaphore(%run_scoped3A : memref<!tpu.dma_semaphore, #tpu.memory_space<semaphore_mem>>)
      %dma_wait3A_139 = tpu.memref_slice %arg4[%add3A_74] : memref<262144xi32, #tpu.memory_space<hbm>> -> memref<512xi32, #tpu.memory_space<hbm>>
      %dma_wait3A_140 = tpu.memref_slice %arg4[%add3A_74] : memref<262144xi32, #tpu.memory_space<hbm>> -> memref<512xi32, #tpu.memory_space<hbm>>
      tpu.wait_dma2 semaphore(%run_scoped3A : memref<!tpu.dma_semaphore, #tpu.memory_space<semaphore_mem>>) src(%dma_wait3A_140 : memref<512xi32, #tpu.memory_space<hbm>>) dst(%arg7 : memref<512xi32, #tpu.memory_space<vmem>>)
      tpu.yield
    }) : () -> ()
    %dma_start3A_75 = arith.constant 0 : i32
    %dma_start3A_76 = arith.constant 0 : i32
    %dma_start3A_77 = tpu.memref_slice %arg2[%dma_start3A_75, %dma_start3A_76] : memref<250000x128xf32, #tpu.memory_space<hbm>> -> memref<250000x128xf32, #tpu.memory_space<hbm>>
    tpu.enqueue_indirect_dma source(%dma_start3A_77 : memref<250000x128xf32, #tpu.memory_space<hbm>>) target(%arg8 : memref<512x128xf32, #tpu.memory_space<vmem>>) offsets(%arg7 : memref<512xi32, #tpu.memory_space<vmem>>) semaphore(%arg9 : memref<!tpu.dma_semaphore, #tpu.memory_space<semaphore_mem>>)
    %dma_wait3A_78 = arith.constant 0 : i32
    %dma_wait3A_79 = arith.constant 0 : i32
    %dma_wait3A_80 = tpu.memref_slice %arg2[%dma_wait3A_78, %dma_wait3A_79] : memref<250000x128xf32, #tpu.memory_space<hbm>> -> memref<250000x128xf32, #tpu.memory_space<hbm>>
    tpu.wait_indirect_dma semaphore(%arg9 : memref<!tpu.dma_semaphore, #tpu.memory_space<semaphore_mem>>) src(%dma_wait3A_80 : memref<250000x128xf32, #tpu.memory_space<hbm>>) dst(%arg8 : memref<512x128xf32, #tpu.memory_space<vmem>>)
    "tpu.region"() ({
      %run_scoped3A = tpu.sem_alloc : memref<!tpu.dma_semaphore, #tpu.memory_space<semaphore_mem>>
      %dma_start3A_137 = arith.constant 0 : i32
      %dma_start3A_138 = tpu.memref_slice %arg6[%add3A_74, %dma_start3A_137] : memref<262144x128xf32, #tpu.memory_space<hbm>> -> memref<512x128xf32, #tpu.memory_space<hbm>>
      %dma_start3A_139 = arith.constant 0 : i32
      %dma_start3A_140 = tpu.memref_slice %arg6[%add3A_74, %dma_start3A_139] : memref<262144x128xf32, #tpu.memory_space<hbm>> -> memref<512x128xf32, #tpu.memory_space<hbm>>
      tpu.enqueue_dma source(%arg8 : memref<512x128xf32, #tpu.memory_space<vmem>>) target(%dma_start3A_140 : memref<512x128xf32, #tpu.memory_space<hbm>>) target_semaphore(%run_scoped3A : memref<!tpu.dma_semaphore, #tpu.memory_space<semaphore_mem>>)
      %dma_wait3A_141 = arith.constant 0 : i32
      %dma_wait3A_142 = tpu.memref_slice %arg6[%add3A_74, %dma_wait3A_141] : memref<262144x128xf32, #tpu.memory_space<hbm>> -> memref<512x128xf32, #tpu.memory_space<hbm>>
      %dma_wait3A_143 = arith.constant 0 : i32
      %dma_wait3A_144 = tpu.memref_slice %arg6[%add3A_74, %dma_wait3A_143] : memref<262144x128xf32, #tpu.memory_space<hbm>> -> memref<512x128xf32, #tpu.memory_space<hbm>>
      tpu.wait_dma2 semaphore(%run_scoped3A : memref<!tpu.dma_semaphore, #tpu.memory_space<semaphore_mem>>) src(%arg8 : memref<512x128xf32, #tpu.memory_space<vmem>>) dst(%dma_wait3A_144 : memref<512x128xf32, #tpu.memory_space<hbm>>)
      tpu.yield
    }) : () -> ()
    %add3A_81 = arith.constant 4608 : i32
    %add3A_82 = arith.addi %mul3A_8, %add3A_81 : i32
    "tpu.region"() ({
      %run_scoped3A = tpu.sem_alloc : memref<!tpu.dma_semaphore, #tpu.memory_space<semaphore_mem>>
      %dma_start3A_137 = tpu.memref_slice %arg4[%add3A_82] : memref<262144xi32, #tpu.memory_space<hbm>> -> memref<512xi32, #tpu.memory_space<hbm>>
      %dma_start3A_138 = tpu.memref_slice %arg4[%add3A_82] : memref<262144xi32, #tpu.memory_space<hbm>> -> memref<512xi32, #tpu.memory_space<hbm>>
      tpu.enqueue_dma source(%dma_start3A_138 : memref<512xi32, #tpu.memory_space<hbm>>) target(%arg7 : memref<512xi32, #tpu.memory_space<vmem>>) target_semaphore(%run_scoped3A : memref<!tpu.dma_semaphore, #tpu.memory_space<semaphore_mem>>)
      %dma_wait3A_139 = tpu.memref_slice %arg4[%add3A_82] : memref<262144xi32, #tpu.memory_space<hbm>> -> memref<512xi32, #tpu.memory_space<hbm>>
      %dma_wait3A_140 = tpu.memref_slice %arg4[%add3A_82] : memref<262144xi32, #tpu.memory_space<hbm>> -> memref<512xi32, #tpu.memory_space<hbm>>
      tpu.wait_dma2 semaphore(%run_scoped3A : memref<!tpu.dma_semaphore, #tpu.memory_space<semaphore_mem>>) src(%dma_wait3A_140 : memref<512xi32, #tpu.memory_space<hbm>>) dst(%arg7 : memref<512xi32, #tpu.memory_space<vmem>>)
      tpu.yield
    }) : () -> ()
    %dma_start3A_83 = arith.constant 0 : i32
    %dma_start3A_84 = arith.constant 0 : i32
    %dma_start3A_85 = tpu.memref_slice %arg2[%dma_start3A_83, %dma_start3A_84] : memref<250000x128xf32, #tpu.memory_space<hbm>> -> memref<250000x128xf32, #tpu.memory_space<hbm>>
    tpu.enqueue_indirect_dma source(%dma_start3A_85 : memref<250000x128xf32, #tpu.memory_space<hbm>>) target(%arg8 : memref<512x128xf32, #tpu.memory_space<vmem>>) offsets(%arg7 : memref<512xi32, #tpu.memory_space<vmem>>) semaphore(%arg9 : memref<!tpu.dma_semaphore, #tpu.memory_space<semaphore_mem>>)
    %dma_wait3A_86 = arith.constant 0 : i32
    %dma_wait3A_87 = arith.constant 0 : i32
    %dma_wait3A_88 = tpu.memref_slice %arg2[%dma_wait3A_86, %dma_wait3A_87] : memref<250000x128xf32, #tpu.memory_space<hbm>> -> memref<250000x128xf32, #tpu.memory_space<hbm>>
    tpu.wait_indirect_dma semaphore(%arg9 : memref<!tpu.dma_semaphore, #tpu.memory_space<semaphore_mem>>) src(%dma_wait3A_88 : memref<250000x128xf32, #tpu.memory_space<hbm>>) dst(%arg8 : memref<512x128xf32, #tpu.memory_space<vmem>>)
    "tpu.region"() ({
      %run_scoped3A = tpu.sem_alloc : memref<!tpu.dma_semaphore, #tpu.memory_space<semaphore_mem>>
      %dma_start3A_137 = arith.constant 0 : i32
      %dma_start3A_138 = tpu.memref_slice %arg6[%add3A_82, %dma_start3A_137] : memref<262144x128xf32, #tpu.memory_space<hbm>> -> memref<512x128xf32, #tpu.memory_space<hbm>>
      %dma_start3A_139 = arith.constant 0 : i32
      %dma_start3A_140 = tpu.memref_slice %arg6[%add3A_82, %dma_start3A_139] : memref<262144x128xf32, #tpu.memory_space<hbm>> -> memref<512x128xf32, #tpu.memory_space<hbm>>
      tpu.enqueue_dma source(%arg8 : memref<512x128xf32, #tpu.memory_space<vmem>>) target(%dma_start3A_140 : memref<512x128xf32, #tpu.memory_space<hbm>>) target_semaphore(%run_scoped3A : memref<!tpu.dma_semaphore, #tpu.memory_space<semaphore_mem>>)
      %dma_wait3A_141 = arith.constant 0 : i32
      %dma_wait3A_142 = tpu.memref_slice %arg6[%add3A_82, %dma_wait3A_141] : memref<262144x128xf32, #tpu.memory_space<hbm>> -> memref<512x128xf32, #tpu.memory_space<hbm>>
      %dma_wait3A_143 = arith.constant 0 : i32
      %dma_wait3A_144 = tpu.memref_slice %arg6[%add3A_82, %dma_wait3A_143] : memref<262144x128xf32, #tpu.memory_space<hbm>> -> memref<512x128xf32, #tpu.memory_space<hbm>>
      tpu.wait_dma2 semaphore(%run_scoped3A : memref<!tpu.dma_semaphore, #tpu.memory_space<semaphore_mem>>) src(%arg8 : memref<512x128xf32, #tpu.memory_space<vmem>>) dst(%dma_wait3A_144 : memref<512x128xf32, #tpu.memory_space<hbm>>)
      tpu.yield
    }) : () -> ()
    %add3A_89 = arith.constant 5120 : i32
    %add3A_90 = arith.addi %mul3A_8, %add3A_89 : i32
    "tpu.region"() ({
      %run_scoped3A = tpu.sem_alloc : memref<!tpu.dma_semaphore, #tpu.memory_space<semaphore_mem>>
      %dma_start3A_137 = tpu.memref_slice %arg4[%add3A_90] : memref<262144xi32, #tpu.memory_space<hbm>> -> memref<512xi32, #tpu.memory_space<hbm>>
      %dma_start3A_138 = tpu.memref_slice %arg4[%add3A_90] : memref<262144xi32, #tpu.memory_space<hbm>> -> memref<512xi32, #tpu.memory_space<hbm>>
      tpu.enqueue_dma source(%dma_start3A_138 : memref<512xi32, #tpu.memory_space<hbm>>) target(%arg7 : memref<512xi32, #tpu.memory_space<vmem>>) target_semaphore(%run_scoped3A : memref<!tpu.dma_semaphore, #tpu.memory_space<semaphore_mem>>)
      %dma_wait3A_139 = tpu.memref_slice %arg4[%add3A_90] : memref<262144xi32, #tpu.memory_space<hbm>> -> memref<512xi32, #tpu.memory_space<hbm>>
      %dma_wait3A_140 = tpu.memref_slice %arg4[%add3A_90] : memref<262144xi32, #tpu.memory_space<hbm>> -> memref<512xi32, #tpu.memory_space<hbm>>
      tpu.wait_dma2 semaphore(%run_scoped3A : memref<!tpu.dma_semaphore, #tpu.memory_space<semaphore_mem>>) src(%dma_wait3A_140 : memref<512xi32, #tpu.memory_space<hbm>>) dst(%arg7 : memref<512xi32, #tpu.memory_space<vmem>>)
      tpu.yield
    }) : () -> ()
    %dma_start3A_91 = arith.constant 0 : i32
    %dma_start3A_92 = arith.constant 0 : i32
    %dma_start3A_93 = tpu.memref_slice %arg2[%dma_start3A_91, %dma_start3A_92] : memref<250000x128xf32, #tpu.memory_space<hbm>> -> memref<250000x128xf32, #tpu.memory_space<hbm>>
    tpu.enqueue_indirect_dma source(%dma_start3A_93 : memref<250000x128xf32, #tpu.memory_space<hbm>>) target(%arg8 : memref<512x128xf32, #tpu.memory_space<vmem>>) offsets(%arg7 : memref<512xi32, #tpu.memory_space<vmem>>) semaphore(%arg9 : memref<!tpu.dma_semaphore, #tpu.memory_space<semaphore_mem>>)
    %dma_wait3A_94 = arith.constant 0 : i32
    %dma_wait3A_95 = arith.constant 0 : i32
    %dma_wait3A_96 = tpu.memref_slice %arg2[%dma_wait3A_94, %dma_wait3A_95] : memref<250000x128xf32, #tpu.memory_space<hbm>> -> memref<250000x128xf32, #tpu.memory_space<hbm>>
    tpu.wait_indirect_dma semaphore(%arg9 : memref<!tpu.dma_semaphore, #tpu.memory_space<semaphore_mem>>) src(%dma_wait3A_96 : memref<250000x128xf32, #tpu.memory_space<hbm>>) dst(%arg8 : memref<512x128xf32, #tpu.memory_space<vmem>>)
    "tpu.region"() ({
      %run_scoped3A = tpu.sem_alloc : memref<!tpu.dma_semaphore, #tpu.memory_space<semaphore_mem>>
      %dma_start3A_137 = arith.constant 0 : i32
      %dma_start3A_138 = tpu.memref_slice %arg6[%add3A_90, %dma_start3A_137] : memref<262144x128xf32, #tpu.memory_space<hbm>> -> memref<512x128xf32, #tpu.memory_space<hbm>>
      %dma_start3A_139 = arith.constant 0 : i32
      %dma_start3A_140 = tpu.memref_slice %arg6[%add3A_90, %dma_start3A_139] : memref<262144x128xf32, #tpu.memory_space<hbm>> -> memref<512x128xf32, #tpu.memory_space<hbm>>
      tpu.enqueue_dma source(%arg8 : memref<512x128xf32, #tpu.memory_space<vmem>>) target(%dma_start3A_140 : memref<512x128xf32, #tpu.memory_space<hbm>>) target_semaphore(%run_scoped3A : memref<!tpu.dma_semaphore, #tpu.memory_space<semaphore_mem>>)
      %dma_wait3A_141 = arith.constant 0 : i32
      %dma_wait3A_142 = tpu.memref_slice %arg6[%add3A_90, %dma_wait3A_141] : memref<262144x128xf32, #tpu.memory_space<hbm>> -> memref<512x128xf32, #tpu.memory_space<hbm>>
      %dma_wait3A_143 = arith.constant 0 : i32
      %dma_wait3A_144 = tpu.memref_slice %arg6[%add3A_90, %dma_wait3A_143] : memref<262144x128xf32, #tpu.memory_space<hbm>> -> memref<512x128xf32, #tpu.memory_space<hbm>>
      tpu.wait_dma2 semaphore(%run_scoped3A : memref<!tpu.dma_semaphore, #tpu.memory_space<semaphore_mem>>) src(%arg8 : memref<512x128xf32, #tpu.memory_space<vmem>>) dst(%dma_wait3A_144 : memref<512x128xf32, #tpu.memory_space<hbm>>)
      tpu.yield
    }) : () -> ()
    %add3A_97 = arith.constant 5632 : i32
    %add3A_98 = arith.addi %mul3A_8, %add3A_97 : i32
    "tpu.region"() ({
      %run_scoped3A = tpu.sem_alloc : memref<!tpu.dma_semaphore, #tpu.memory_space<semaphore_mem>>
      %dma_start3A_137 = tpu.memref_slice %arg4[%add3A_98] : memref<262144xi32, #tpu.memory_space<hbm>> -> memref<512xi32, #tpu.memory_space<hbm>>
      %dma_start3A_138 = tpu.memref_slice %arg4[%add3A_98] : memref<262144xi32, #tpu.memory_space<hbm>> -> memref<512xi32, #tpu.memory_space<hbm>>
      tpu.enqueue_dma source(%dma_start3A_138 : memref<512xi32, #tpu.memory_space<hbm>>) target(%arg7 : memref<512xi32, #tpu.memory_space<vmem>>) target_semaphore(%run_scoped3A : memref<!tpu.dma_semaphore, #tpu.memory_space<semaphore_mem>>)
      %dma_wait3A_139 = tpu.memref_slice %arg4[%add3A_98] : memref<262144xi32, #tpu.memory_space<hbm>> -> memref<512xi32, #tpu.memory_space<hbm>>
      %dma_wait3A_140 = tpu.memref_slice %arg4[%add3A_98] : memref<262144xi32, #tpu.memory_space<hbm>> -> memref<512xi32, #tpu.memory_space<hbm>>
      tpu.wait_dma2 semaphore(%run_scoped3A : memref<!tpu.dma_semaphore, #tpu.memory_space<semaphore_mem>>) src(%dma_wait3A_140 : memref<512xi32, #tpu.memory_space<hbm>>) dst(%arg7 : memref<512xi32, #tpu.memory_space<vmem>>)
      tpu.yield
    }) : () -> ()
    %dma_start3A_99 = arith.constant 0 : i32
    %dma_start3A_100 = arith.constant 0 : i32
    %dma_start3A_101 = tpu.memref_slice %arg2[%dma_start3A_99, %dma_start3A_100] : memref<250000x128xf32, #tpu.memory_space<hbm>> -> memref<250000x128xf32, #tpu.memory_space<hbm>>
    tpu.enqueue_indirect_dma source(%dma_start3A_101 : memref<250000x128xf32, #tpu.memory_space<hbm>>) target(%arg8 : memref<512x128xf32, #tpu.memory_space<vmem>>) offsets(%arg7 : memref<512xi32, #tpu.memory_space<vmem>>) semaphore(%arg9 : memref<!tpu.dma_semaphore, #tpu.memory_space<semaphore_mem>>)
    %dma_wait3A_102 = arith.constant 0 : i32
    %dma_wait3A_103 = arith.constant 0 : i32
    %dma_wait3A_104 = tpu.memref_slice %arg2[%dma_wait3A_102, %dma_wait3A_103] : memref<250000x128xf32, #tpu.memory_space<hbm>> -> memref<250000x128xf32, #tpu.memory_space<hbm>>
    tpu.wait_indirect_dma semaphore(%arg9 : memref<!tpu.dma_semaphore, #tpu.memory_space<semaphore_mem>>) src(%dma_wait3A_104 : memref<250000x128xf32, #tpu.memory_space<hbm>>) dst(%arg8 : memref<512x128xf32, #tpu.memory_space<vmem>>)
    "tpu.region"() ({
      %run_scoped3A = tpu.sem_alloc : memref<!tpu.dma_semaphore, #tpu.memory_space<semaphore_mem>>
      %dma_start3A_137 = arith.constant 0 : i32
      %dma_start3A_138 = tpu.memref_slice %arg6[%add3A_98, %dma_start3A_137] : memref<262144x128xf32, #tpu.memory_space<hbm>> -> memref<512x128xf32, #tpu.memory_space<hbm>>
      %dma_start3A_139 = arith.constant 0 : i32
      %dma_start3A_140 = tpu.memref_slice %arg6[%add3A_98, %dma_start3A_139] : memref<262144x128xf32, #tpu.memory_space<hbm>> -> memref<512x128xf32, #tpu.memory_space<hbm>>
      tpu.enqueue_dma source(%arg8 : memref<512x128xf32, #tpu.memory_space<vmem>>) target(%dma_start3A_140 : memref<512x128xf32, #tpu.memory_space<hbm>>) target_semaphore(%run_scoped3A : memref<!tpu.dma_semaphore, #tpu.memory_space<semaphore_mem>>)
      %dma_wait3A_141 = arith.constant 0 : i32
      %dma_wait3A_142 = tpu.memref_slice %arg6[%add3A_98, %dma_wait3A_141] : memref<262144x128xf32, #tpu.memory_space<hbm>> -> memref<512x128xf32, #tpu.memory_space<hbm>>
      %dma_wait3A_143 = arith.constant 0 : i32
      %dma_wait3A_144 = tpu.memref_slice %arg6[%add3A_98, %dma_wait3A_143] : memref<262144x128xf32, #tpu.memory_space<hbm>> -> memref<512x128xf32, #tpu.memory_space<hbm>>
      tpu.wait_dma2 semaphore(%run_scoped3A : memref<!tpu.dma_semaphore, #tpu.memory_space<semaphore_mem>>) src(%arg8 : memref<512x128xf32, #tpu.memory_space<vmem>>) dst(%dma_wait3A_144 : memref<512x128xf32, #tpu.memory_space<hbm>>)
      tpu.yield
    }) : () -> ()
    %add3A_105 = arith.constant 6144 : i32
    %add3A_106 = arith.addi %mul3A_8, %add3A_105 : i32
    "tpu.region"() ({
      %run_scoped3A = tpu.sem_alloc : memref<!tpu.dma_semaphore, #tpu.memory_space<semaphore_mem>>
      %dma_start3A_137 = tpu.memref_slice %arg4[%add3A_106] : memref<262144xi32, #tpu.memory_space<hbm>> -> memref<512xi32, #tpu.memory_space<hbm>>
      %dma_start3A_138 = tpu.memref_slice %arg4[%add3A_106] : memref<262144xi32, #tpu.memory_space<hbm>> -> memref<512xi32, #tpu.memory_space<hbm>>
      tpu.enqueue_dma source(%dma_start3A_138 : memref<512xi32, #tpu.memory_space<hbm>>) target(%arg7 : memref<512xi32, #tpu.memory_space<vmem>>) target_semaphore(%run_scoped3A : memref<!tpu.dma_semaphore, #tpu.memory_space<semaphore_mem>>)
      %dma_wait3A_139 = tpu.memref_slice %arg4[%add3A_106] : memref<262144xi32, #tpu.memory_space<hbm>> -> memref<512xi32, #tpu.memory_space<hbm>>
      %dma_wait3A_140 = tpu.memref_slice %arg4[%add3A_106] : memref<262144xi32, #tpu.memory_space<hbm>> -> memref<512xi32, #tpu.memory_space<hbm>>
      tpu.wait_dma2 semaphore(%run_scoped3A : memref<!tpu.dma_semaphore, #tpu.memory_space<semaphore_mem>>) src(%dma_wait3A_140 : memref<512xi32, #tpu.memory_space<hbm>>) dst(%arg7 : memref<512xi32, #tpu.memory_space<vmem>>)
      tpu.yield
    }) : () -> ()
    %dma_start3A_107 = arith.constant 0 : i32
    %dma_start3A_108 = arith.constant 0 : i32
    %dma_start3A_109 = tpu.memref_slice %arg2[%dma_start3A_107, %dma_start3A_108] : memref<250000x128xf32, #tpu.memory_space<hbm>> -> memref<250000x128xf32, #tpu.memory_space<hbm>>
    tpu.enqueue_indirect_dma source(%dma_start3A_109 : memref<250000x128xf32, #tpu.memory_space<hbm>>) target(%arg8 : memref<512x128xf32, #tpu.memory_space<vmem>>) offsets(%arg7 : memref<512xi32, #tpu.memory_space<vmem>>) semaphore(%arg9 : memref<!tpu.dma_semaphore, #tpu.memory_space<semaphore_mem>>)
    %dma_wait3A_110 = arith.constant 0 : i32
    %dma_wait3A_111 = arith.constant 0 : i32
    %dma_wait3A_112 = tpu.memref_slice %arg2[%dma_wait3A_110, %dma_wait3A_111] : memref<250000x128xf32, #tpu.memory_space<hbm>> -> memref<250000x128xf32, #tpu.memory_space<hbm>>
    tpu.wait_indirect_dma semaphore(%arg9 : memref<!tpu.dma_semaphore, #tpu.memory_space<semaphore_mem>>) src(%dma_wait3A_112 : memref<250000x128xf32, #tpu.memory_space<hbm>>) dst(%arg8 : memref<512x128xf32, #tpu.memory_space<vmem>>)
    "tpu.region"() ({
      %run_scoped3A = tpu.sem_alloc : memref<!tpu.dma_semaphore, #tpu.memory_space<semaphore_mem>>
      %dma_start3A_137 = arith.constant 0 : i32
      %dma_start3A_138 = tpu.memref_slice %arg6[%add3A_106, %dma_start3A_137] : memref<262144x128xf32, #tpu.memory_space<hbm>> -> memref<512x128xf32, #tpu.memory_space<hbm>>
      %dma_start3A_139 = arith.constant 0 : i32
      %dma_start3A_140 = tpu.memref_slice %arg6[%add3A_106, %dma_start3A_139] : memref<262144x128xf32, #tpu.memory_space<hbm>> -> memref<512x128xf32, #tpu.memory_space<hbm>>
      tpu.enqueue_dma source(%arg8 : memref<512x128xf32, #tpu.memory_space<vmem>>) target(%dma_start3A_140 : memref<512x128xf32, #tpu.memory_space<hbm>>) target_semaphore(%run_scoped3A : memref<!tpu.dma_semaphore, #tpu.memory_space<semaphore_mem>>)
      %dma_wait3A_141 = arith.constant 0 : i32
      %dma_wait3A_142 = tpu.memref_slice %arg6[%add3A_106, %dma_wait3A_141] : memref<262144x128xf32, #tpu.memory_space<hbm>> -> memref<512x128xf32, #tpu.memory_space<hbm>>
      %dma_wait3A_143 = arith.constant 0 : i32
      %dma_wait3A_144 = tpu.memref_slice %arg6[%add3A_106, %dma_wait3A_143] : memref<262144x128xf32, #tpu.memory_space<hbm>> -> memref<512x128xf32, #tpu.memory_space<hbm>>
      tpu.wait_dma2 semaphore(%run_scoped3A : memref<!tpu.dma_semaphore, #tpu.memory_space<semaphore_mem>>) src(%arg8 : memref<512x128xf32, #tpu.memory_space<vmem>>) dst(%dma_wait3A_144 : memref<512x128xf32, #tpu.memory_space<hbm>>)
      tpu.yield
    }) : () -> ()
    %add3A_113 = arith.constant 6656 : i32
    %add3A_114 = arith.addi %mul3A_8, %add3A_113 : i32
    "tpu.region"() ({
      %run_scoped3A = tpu.sem_alloc : memref<!tpu.dma_semaphore, #tpu.memory_space<semaphore_mem>>
      %dma_start3A_137 = tpu.memref_slice %arg4[%add3A_114] : memref<262144xi32, #tpu.memory_space<hbm>> -> memref<512xi32, #tpu.memory_space<hbm>>
      %dma_start3A_138 = tpu.memref_slice %arg4[%add3A_114] : memref<262144xi32, #tpu.memory_space<hbm>> -> memref<512xi32, #tpu.memory_space<hbm>>
      tpu.enqueue_dma source(%dma_start3A_138 : memref<512xi32, #tpu.memory_space<hbm>>) target(%arg7 : memref<512xi32, #tpu.memory_space<vmem>>) target_semaphore(%run_scoped3A : memref<!tpu.dma_semaphore, #tpu.memory_space<semaphore_mem>>)
      %dma_wait3A_139 = tpu.memref_slice %arg4[%add3A_114] : memref<262144xi32, #tpu.memory_space<hbm>> -> memref<512xi32, #tpu.memory_space<hbm>>
      %dma_wait3A_140 = tpu.memref_slice %arg4[%add3A_114] : memref<262144xi32, #tpu.memory_space<hbm>> -> memref<512xi32, #tpu.memory_space<hbm>>
      tpu.wait_dma2 semaphore(%run_scoped3A : memref<!tpu.dma_semaphore, #tpu.memory_space<semaphore_mem>>) src(%dma_wait3A_140 : memref<512xi32, #tpu.memory_space<hbm>>) dst(%arg7 : memref<512xi32, #tpu.memory_space<vmem>>)
      tpu.yield
    }) : () -> ()
    %dma_start3A_115 = arith.constant 0 : i32
    %dma_start3A_116 = arith.constant 0 : i32
    %dma_start3A_117 = tpu.memref_slice %arg2[%dma_start3A_115, %dma_start3A_116] : memref<250000x128xf32, #tpu.memory_space<hbm>> -> memref<250000x128xf32, #tpu.memory_space<hbm>>
    tpu.enqueue_indirect_dma source(%dma_start3A_117 : memref<250000x128xf32, #tpu.memory_space<hbm>>) target(%arg8 : memref<512x128xf32, #tpu.memory_space<vmem>>) offsets(%arg7 : memref<512xi32, #tpu.memory_space<vmem>>) semaphore(%arg9 : memref<!tpu.dma_semaphore, #tpu.memory_space<semaphore_mem>>)
    %dma_wait3A_118 = arith.constant 0 : i32
    %dma_wait3A_119 = arith.constant 0 : i32
    %dma_wait3A_120 = tpu.memref_slice %arg2[%dma_wait3A_118, %dma_wait3A_119] : memref<250000x128xf32, #tpu.memory_space<hbm>> -> memref<250000x128xf32, #tpu.memory_space<hbm>>
    tpu.wait_indirect_dma semaphore(%arg9 : memref<!tpu.dma_semaphore, #tpu.memory_space<semaphore_mem>>) src(%dma_wait3A_120 : memref<250000x128xf32, #tpu.memory_space<hbm>>) dst(%arg8 : memref<512x128xf32, #tpu.memory_space<vmem>>)
    "tpu.region"() ({
      %run_scoped3A = tpu.sem_alloc : memref<!tpu.dma_semaphore, #tpu.memory_space<semaphore_mem>>
      %dma_start3A_137 = arith.constant 0 : i32
      %dma_start3A_138 = tpu.memref_slice %arg6[%add3A_114, %dma_start3A_137] : memref<262144x128xf32, #tpu.memory_space<hbm>> -> memref<512x128xf32, #tpu.memory_space<hbm>>
      %dma_start3A_139 = arith.constant 0 : i32
      %dma_start3A_140 = tpu.memref_slice %arg6[%add3A_114, %dma_start3A_139] : memref<262144x128xf32, #tpu.memory_space<hbm>> -> memref<512x128xf32, #tpu.memory_space<hbm>>
      tpu.enqueue_dma source(%arg8 : memref<512x128xf32, #tpu.memory_space<vmem>>) target(%dma_start3A_140 : memref<512x128xf32, #tpu.memory_space<hbm>>) target_semaphore(%run_scoped3A : memref<!tpu.dma_semaphore, #tpu.memory_space<semaphore_mem>>)
      %dma_wait3A_141 = arith.constant 0 : i32
      %dma_wait3A_142 = tpu.memref_slice %arg6[%add3A_114, %dma_wait3A_141] : memref<262144x128xf32, #tpu.memory_space<hbm>> -> memref<512x128xf32, #tpu.memory_space<hbm>>
      %dma_wait3A_143 = arith.constant 0 : i32
      %dma_wait3A_144 = tpu.memref_slice %arg6[%add3A_114, %dma_wait3A_143] : memref<262144x128xf32, #tpu.memory_space<hbm>> -> memref<512x128xf32, #tpu.memory_space<hbm>>
      tpu.wait_dma2 semaphore(%run_scoped3A : memref<!tpu.dma_semaphore, #tpu.memory_space<semaphore_mem>>) src(%arg8 : memref<512x128xf32, #tpu.memory_space<vmem>>) dst(%dma_wait3A_144 : memref<512x128xf32, #tpu.memory_space<hbm>>)
      tpu.yield
    }) : () -> ()
    %add3A_121 = arith.constant 7168 : i32
    %add3A_122 = arith.addi %mul3A_8, %add3A_121 : i32
    "tpu.region"() ({
      %run_scoped3A = tpu.sem_alloc : memref<!tpu.dma_semaphore, #tpu.memory_space<semaphore_mem>>
      %dma_start3A_137 = tpu.memref_slice %arg4[%add3A_122] : memref<262144xi32, #tpu.memory_space<hbm>> -> memref<512xi32, #tpu.memory_space<hbm>>
      %dma_start3A_138 = tpu.memref_slice %arg4[%add3A_122] : memref<262144xi32, #tpu.memory_space<hbm>> -> memref<512xi32, #tpu.memory_space<hbm>>
      tpu.enqueue_dma source(%dma_start3A_138 : memref<512xi32, #tpu.memory_space<hbm>>) target(%arg7 : memref<512xi32, #tpu.memory_space<vmem>>) target_semaphore(%run_scoped3A : memref<!tpu.dma_semaphore, #tpu.memory_space<semaphore_mem>>)
      %dma_wait3A_139 = tpu.memref_slice %arg4[%add3A_122] : memref<262144xi32, #tpu.memory_space<hbm>> -> memref<512xi32, #tpu.memory_space<hbm>>
      %dma_wait3A_140 = tpu.memref_slice %arg4[%add3A_122] : memref<262144xi32, #tpu.memory_space<hbm>> -> memref<512xi32, #tpu.memory_space<hbm>>
      tpu.wait_dma2 semaphore(%run_scoped3A : memref<!tpu.dma_semaphore, #tpu.memory_space<semaphore_mem>>) src(%dma_wait3A_140 : memref<512xi32, #tpu.memory_space<hbm>>) dst(%arg7 : memref<512xi32, #tpu.memory_space<vmem>>)
      tpu.yield
    }) : () -> ()
    %dma_start3A_123 = arith.constant 0 : i32
    %dma_start3A_124 = arith.constant 0 : i32
    %dma_start3A_125 = tpu.memref_slice %arg2[%dma_start3A_123, %dma_start3A_124] : memref<250000x128xf32, #tpu.memory_space<hbm>> -> memref<250000x128xf32, #tpu.memory_space<hbm>>
    tpu.enqueue_indirect_dma source(%dma_start3A_125 : memref<250000x128xf32, #tpu.memory_space<hbm>>) target(%arg8 : memref<512x128xf32, #tpu.memory_space<vmem>>) offsets(%arg7 : memref<512xi32, #tpu.memory_space<vmem>>) semaphore(%arg9 : memref<!tpu.dma_semaphore, #tpu.memory_space<semaphore_mem>>)
    %dma_wait3A_126 = arith.constant 0 : i32
    %dma_wait3A_127 = arith.constant 0 : i32
    %dma_wait3A_128 = tpu.memref_slice %arg2[%dma_wait3A_126, %dma_wait3A_127] : memref<250000x128xf32, #tpu.memory_space<hbm>> -> memref<250000x128xf32, #tpu.memory_space<hbm>>
    tpu.wait_indirect_dma semaphore(%arg9 : memref<!tpu.dma_semaphore, #tpu.memory_space<semaphore_mem>>) src(%dma_wait3A_128 : memref<250000x128xf32, #tpu.memory_space<hbm>>) dst(%arg8 : memref<512x128xf32, #tpu.memory_space<vmem>>)
    "tpu.region"() ({
      %run_scoped3A = tpu.sem_alloc : memref<!tpu.dma_semaphore, #tpu.memory_space<semaphore_mem>>
      %dma_start3A_137 = arith.constant 0 : i32
      %dma_start3A_138 = tpu.memref_slice %arg6[%add3A_122, %dma_start3A_137] : memref<262144x128xf32, #tpu.memory_space<hbm>> -> memref<512x128xf32, #tpu.memory_space<hbm>>
      %dma_start3A_139 = arith.constant 0 : i32
      %dma_start3A_140 = tpu.memref_slice %arg6[%add3A_122, %dma_start3A_139] : memref<262144x128xf32, #tpu.memory_space<hbm>> -> memref<512x128xf32, #tpu.memory_space<hbm>>
      tpu.enqueue_dma source(%arg8 : memref<512x128xf32, #tpu.memory_space<vmem>>) target(%dma_start3A_140 : memref<512x128xf32, #tpu.memory_space<hbm>>) target_semaphore(%run_scoped3A : memref<!tpu.dma_semaphore, #tpu.memory_space<semaphore_mem>>)
      %dma_wait3A_141 = arith.constant 0 : i32
      %dma_wait3A_142 = tpu.memref_slice %arg6[%add3A_122, %dma_wait3A_141] : memref<262144x128xf32, #tpu.memory_space<hbm>> -> memref<512x128xf32, #tpu.memory_space<hbm>>
      %dma_wait3A_143 = arith.constant 0 : i32
      %dma_wait3A_144 = tpu.memref_slice %arg6[%add3A_122, %dma_wait3A_143] : memref<262144x128xf32, #tpu.memory_space<hbm>> -> memref<512x128xf32, #tpu.memory_space<hbm>>
      tpu.wait_dma2 semaphore(%run_scoped3A : memref<!tpu.dma_semaphore, #tpu.memory_space<semaphore_mem>>) src(%arg8 : memref<512x128xf32, #tpu.memory_space<vmem>>) dst(%dma_wait3A_144 : memref<512x128xf32, #tpu.memory_space<hbm>>)
      tpu.yield
    }) : () -> ()
    %add3A_129 = arith.constant 7680 : i32
    %add3A_130 = arith.addi %mul3A_8, %add3A_129 : i32
    "tpu.region"() ({
      %run_scoped3A = tpu.sem_alloc : memref<!tpu.dma_semaphore, #tpu.memory_space<semaphore_mem>>
      %dma_start3A_137 = tpu.memref_slice %arg4[%add3A_130] : memref<262144xi32, #tpu.memory_space<hbm>> -> memref<512xi32, #tpu.memory_space<hbm>>
      %dma_start3A_138 = tpu.memref_slice %arg4[%add3A_130] : memref<262144xi32, #tpu.memory_space<hbm>> -> memref<512xi32, #tpu.memory_space<hbm>>
      tpu.enqueue_dma source(%dma_start3A_138 : memref<512xi32, #tpu.memory_space<hbm>>) target(%arg7 : memref<512xi32, #tpu.memory_space<vmem>>) target_semaphore(%run_scoped3A : memref<!tpu.dma_semaphore, #tpu.memory_space<semaphore_mem>>)
      %dma_wait3A_139 = tpu.memref_slice %arg4[%add3A_130] : memref<262144xi32, #tpu.memory_space<hbm>> -> memref<512xi32, #tpu.memory_space<hbm>>
      %dma_wait3A_140 = tpu.memref_slice %arg4[%add3A_130] : memref<262144xi32, #tpu.memory_space<hbm>> -> memref<512xi32, #tpu.memory_space<hbm>>
      tpu.wait_dma2 semaphore(%run_scoped3A : memref<!tpu.dma_semaphore, #tpu.memory_space<semaphore_mem>>) src(%dma_wait3A_140 : memref<512xi32, #tpu.memory_space<hbm>>) dst(%arg7 : memref<512xi32, #tpu.memory_space<vmem>>)
      tpu.yield
    }) : () -> ()
    %dma_start3A_131 = arith.constant 0 : i32
    %dma_start3A_132 = arith.constant 0 : i32
    %dma_start3A_133 = tpu.memref_slice %arg2[%dma_start3A_131, %dma_start3A_132] : memref<250000x128xf32, #tpu.memory_space<hbm>> -> memref<250000x128xf32, #tpu.memory_space<hbm>>
    tpu.enqueue_indirect_dma source(%dma_start3A_133 : memref<250000x128xf32, #tpu.memory_space<hbm>>) target(%arg8 : memref<512x128xf32, #tpu.memory_space<vmem>>) offsets(%arg7 : memref<512xi32, #tpu.memory_space<vmem>>) semaphore(%arg9 : memref<!tpu.dma_semaphore, #tpu.memory_space<semaphore_mem>>)
    %dma_wait3A_134 = arith.constant 0 : i32
    %dma_wait3A_135 = arith.constant 0 : i32
    %dma_wait3A_136 = tpu.memref_slice %arg2[%dma_wait3A_134, %dma_wait3A_135] : memref<250000x128xf32, #tpu.memory_space<hbm>> -> memref<250000x128xf32, #tpu.memory_space<hbm>>
    tpu.wait_indirect_dma semaphore(%arg9 : memref<!tpu.dma_semaphore, #tpu.memory_space<semaphore_mem>>) src(%dma_wait3A_136 : memref<250000x128xf32, #tpu.memory_space<hbm>>) dst(%arg8 : memref<512x128xf32, #tpu.memory_space<vmem>>)
    "tpu.region"() ({
      %run_scoped3A = tpu.sem_alloc : memref<!tpu.dma_semaphore, #tpu.memory_space<semaphore_mem>>
      %dma_start3A_137 = arith.constant 0 : i32
      %dma_start3A_138 = tpu.memref_slice %arg6[%add3A_130, %dma_start3A_137] : memref<262144x128xf32, #tpu.memory_space<hbm>> -> memref<512x128xf32, #tpu.memory_space<hbm>>
      %dma_start3A_139 = arith.constant 0 : i32
      %dma_start3A_140 = tpu.memref_slice %arg6[%add3A_130, %dma_start3A_139] : memref<262144x128xf32, #tpu.memory_space<hbm>> -> memref<512x128xf32, #tpu.memory_space<hbm>>
      tpu.enqueue_dma source(%arg8 : memref<512x128xf32, #tpu.memory_space<vmem>>) target(%dma_start3A_140 : memref<512x128xf32, #tpu.memory_space<hbm>>) target_semaphore(%run_scoped3A : memref<!tpu.dma_semaphore, #tpu.memory_space<semaphore_mem>>)
      %dma_wait3A_141 = arith.constant 0 : i32
      %dma_wait3A_142 = tpu.memref_slice %arg6[%add3A_130, %dma_wait3A_141] : memref<262144x128xf32, #tpu.memory_space<hbm>> -> memref<512x128xf32, #tpu.memory_space<hbm>>
      %dma_wait3A_143 = arith.constant 0 : i32
      %dma_wait3A_144 = tpu.memref_slice %arg6[%add3A_130, %dma_wait3A_143] : memref<262144x128xf32, #tpu.memory_space<hbm>> -> memref<512x128xf32, #tpu.memory_space<hbm>>
      tpu.wait_dma2 semaphore(%run_scoped3A : memref<!tpu.dma_semaphore, #tpu.memory_space<semaphore_mem>>) src(%arg8 : memref<512x128xf32, #tpu.memory_space<vmem>>) dst(%dma_wait3A_144 : memref<512x128xf32, #tpu.memory_space<hbm>>)
      tpu.yield
    }) : () -> ()
    return
  }
}

module attributes {stable_mosaic.version = 14 : i64} {
  func.func @body(%arg0: i32, %arg1: memref<2000x32xf32, #tpu.memory_space<vmem>>, %arg2: memref<2000x32xf32, #tpu.memory_space<vmem>>, %arg3: memref<2000x32xf32, #tpu.memory_space<vmem>>, %arg4: memref<2000x32xf32, #tpu.memory_space<vmem>>, %arg5: memref<2000x32xf32, #tpu.memory_space<vmem>>, %arg6: memref<2000x32xf32, #tpu.memory_space<vmem>>, %arg7: memref<2000x32xf32, #tpu.memory_space<vmem>>, %arg8: memref<2000x32xf32, #tpu.memory_space<vmem>>, %arg9: memref<2000x32xf32, #tpu.memory_space<vmem>>, %arg10: memref<2000x32xf32, #tpu.memory_space<vmem>>, %arg11: memref<2000x32xf32, #tpu.memory_space<vmem>>, %arg12: memref<2000x32xf32, #tpu.memory_space<vmem>>, %arg13: memref<2000x128xf32, #tpu.memory_space<vmem>>, %arg14: memref<2000x128xf32, #tpu.memory_space<vmem>>, %arg15: memref<2000x128xf32, #tpu.memory_space<vmem>>) attributes {dimension_semantics = [#tpu.dimension_semantics<arbitrary>], iteration_bounds = array<i64: 125>, scalar_prefetch = 0 : i64, scratch_operands = 0 : i64, tpu.core_type = #tpu.core_type<tc>, window_params = [{transform_indices = @transform_0, window_bounds = array<i64: 2000, 32>}, {transform_indices = @transform_1, window_bounds = array<i64: 2000, 32>}, {transform_indices = @transform_2, window_bounds = array<i64: 2000, 32>}, {transform_indices = @transform_3, window_bounds = array<i64: 2000, 32>}, {transform_indices = @transform_4, window_bounds = array<i64: 2000, 32>}, {transform_indices = @transform_5, window_bounds = array<i64: 2000, 32>}, {transform_indices = @transform_6, window_bounds = array<i64: 2000, 32>}, {transform_indices = @transform_7, window_bounds = array<i64: 2000, 32>}, {transform_indices = @transform_8, window_bounds = array<i64: 2000, 32>}, {transform_indices = @transform_9, window_bounds = array<i64: 2000, 32>}, {transform_indices = @transform_10, window_bounds = array<i64: 2000, 32>}, {transform_indices = @transform_11, window_bounds = array<i64: 2000, 32>}, {transform_indices = @transform_12, window_bounds = array<i64: 2000, 128>}, {transform_indices = @transform_13, window_bounds = array<i64: 2000, 128>}, {transform_indices = @transform_14, window_bounds = array<i64: 2000, 128>}]} {
    %get3A = arith.constant 0 : index
    %get3A_0 = arith.constant 0 : index
    %get3A_1 = vector.load %arg1[%get3A, %get3A_0] : memref<2000x32xf32, #tpu.memory_space<vmem>>, vector<2000x32xf32>
    %get3A_2 = arith.constant 0 : index
    %get3A_3 = arith.constant 0 : index
    %get3A_4 = vector.load %arg2[%get3A_2, %get3A_3] : memref<2000x32xf32, #tpu.memory_space<vmem>>, vector<2000x32xf32>
    %get3A_5 = arith.constant 0 : index
    %get3A_6 = arith.constant 0 : index
    %get3A_7 = vector.load %arg3[%get3A_5, %get3A_6] : memref<2000x32xf32, #tpu.memory_space<vmem>>, vector<2000x32xf32>
    %get3A_8 = arith.constant 0 : index
    %get3A_9 = arith.constant 0 : index
    %get3A_10 = vector.load %arg4[%get3A_8, %get3A_9] : memref<2000x32xf32, #tpu.memory_space<vmem>>, vector<2000x32xf32>
    %concatenate3A = tpu.concatenate %get3A_1, %get3A_4, %get3A_7, %get3A_10 in 1 : vector<2000x32xf32>, vector<2000x32xf32>, vector<2000x32xf32>, vector<2000x32xf32> -> vector<2000x128xf32>
    %swap3A = arith.constant 0 : index
    %swap3A_11 = arith.constant 0 : index
    %swap3A_12 = vector.load %arg13[%swap3A, %swap3A_11] : memref<2000x128xf32, #tpu.memory_space<vmem>>, vector<2000x128xf32>
    tpu.vector_store %arg13[%swap3A, %swap3A_11], %concatenate3A {strides = array<i32>} : memref<2000x128xf32, #tpu.memory_space<vmem>>, vector<2000x128xf32>,
    %get3A_13 = arith.constant 0 : index
    %get3A_14 = arith.constant 0 : index
    %get3A_15 = vector.load %arg5[%get3A_13, %get3A_14] : memref<2000x32xf32, #tpu.memory_space<vmem>>, vector<2000x32xf32>
    %get3A_16 = arith.constant 0 : index
    %get3A_17 = arith.constant 0 : index
    %get3A_18 = vector.load %arg6[%get3A_16, %get3A_17] : memref<2000x32xf32, #tpu.memory_space<vmem>>, vector<2000x32xf32>
    %get3A_19 = arith.constant 0 : index
    %get3A_20 = arith.constant 0 : index
    %get3A_21 = vector.load %arg7[%get3A_19, %get3A_20] : memref<2000x32xf32, #tpu.memory_space<vmem>>, vector<2000x32xf32>
    %get3A_22 = arith.constant 0 : index
    %get3A_23 = arith.constant 0 : index
    %get3A_24 = vector.load %arg8[%get3A_22, %get3A_23] : memref<2000x32xf32, #tpu.memory_space<vmem>>, vector<2000x32xf32>
    %concatenate3A_25 = tpu.concatenate %get3A_15, %get3A_18, %get3A_21, %get3A_24 in 1 : vector<2000x32xf32>, vector<2000x32xf32>, vector<2000x32xf32>, vector<2000x32xf32> -> vector<2000x128xf32>
    %swap3A_26 = arith.constant 0 : index
    %swap3A_27 = arith.constant 0 : index
    %swap3A_28 = vector.load %arg14[%swap3A_26, %swap3A_27] : memref<2000x128xf32, #tpu.memory_space<vmem>>, vector<2000x128xf32>
    tpu.vector_store %arg14[%swap3A_26, %swap3A_27], %concatenate3A_25 {strides = array<i32>} : memref<2000x128xf32, #tpu.memory_space<vmem>>, vector<2000x128xf32>,
    %get3A_29 = arith.constant 0 : index
    %get3A_30 = arith.constant 0 : index
    %get3A_31 = vector.load %arg9[%get3A_29, %get3A_30] : memref<2000x32xf32, #tpu.memory_space<vmem>>, vector<2000x32xf32>
    %get3A_32 = arith.constant 0 : index
    %get3A_33 = arith.constant 0 : index
    %get3A_34 = vector.load %arg10[%get3A_32, %get3A_33] : memref<2000x32xf32, #tpu.memory_space<vmem>>, vector<2000x32xf32>
    %get3A_35 = arith.constant 0 : index
    %get3A_36 = arith.constant 0 : index
    %get3A_37 = vector.load %arg11[%get3A_35, %get3A_36] : memref<2000x32xf32, #tpu.memory_space<vmem>>, vector<2000x32xf32>
    %get3A_38 = arith.constant 0 : index
    %get3A_39 = arith.constant 0 : index
    %get3A_40 = vector.load %arg12[%get3A_38, %get3A_39] : memref<2000x32xf32, #tpu.memory_space<vmem>>, vector<2000x32xf32>
    %concatenate3A_41 = tpu.concatenate %get3A_31, %get3A_34, %get3A_37, %get3A_40 in 1 : vector<2000x32xf32>, vector<2000x32xf32>, vector<2000x32xf32>, vector<2000x32xf32> -> vector<2000x128xf32>
    %swap3A_42 = arith.constant 0 : index
    %swap3A_43 = arith.constant 0 : index
    %swap3A_44 = vector.load %arg15[%swap3A_42, %swap3A_43] : memref<2000x128xf32, #tpu.memory_space<vmem>>, vector<2000x128xf32>
    tpu.vector_store %arg15[%swap3A_42, %swap3A_43], %concatenate3A_41 {strides = array<i32>} : memref<2000x128xf32, #tpu.memory_space<vmem>>, vector<2000x128xf32>,
    return
  }
  func.func @transform_0(%arg0: i32) -> (i32, i32) {
    %add3A = arith.constant 0 : i32
    %add3A_0 = arith.addi %add3A, %arg0 : i32
    %c0_i32 = arith.constant 0 : i32
    %c0_i32_1 = arith.constant 0 : i32
    return %add3A_0, %c0_i32 : i32, i32
  }
  func.func @transform_1(%arg0: i32) -> (i32, i32) {
    %add3A = arith.constant 125 : i32
    %add3A_0 = arith.addi %add3A, %arg0 : i32
    %c0_i32 = arith.constant 0 : i32
    %c0_i32_1 = arith.constant 0 : i32
    return %add3A_0, %c0_i32 : i32, i32
  }
  func.func @transform_2(%arg0: i32) -> (i32, i32) {
    %add3A = arith.constant 250 : i32
    %add3A_0 = arith.addi %add3A, %arg0 : i32
    %c0_i32 = arith.constant 0 : i32
    %c0_i32_1 = arith.constant 0 : i32
    return %add3A_0, %c0_i32 : i32, i32
  }
  func.func @transform_3(%arg0: i32) -> (i32, i32) {
    %add3A = arith.constant 375 : i32
    %add3A_0 = arith.addi %add3A, %arg0 : i32
    %c0_i32 = arith.constant 0 : i32
    %c0_i32_1 = arith.constant 0 : i32
    return %add3A_0, %c0_i32 : i32, i32
  }
  func.func @transform_4(%arg0: i32) -> (i32, i32) {
    %add3A = arith.constant 0 : i32
    %add3A_0 = arith.addi %add3A, %arg0 : i32
    %c0_i32 = arith.constant 0 : i32
    %c0_i32_1 = arith.constant 0 : i32
    return %add3A_0, %c0_i32 : i32, i32
  }
  func.func @transform_5(%arg0: i32) -> (i32, i32) {
    %add3A = arith.constant 125 : i32
    %add3A_0 = arith.addi %add3A, %arg0 : i32
    %c0_i32 = arith.constant 0 : i32
    %c0_i32_1 = arith.constant 0 : i32
    return %add3A_0, %c0_i32 : i32, i32
  }
  func.func @transform_6(%arg0: i32) -> (i32, i32) {
    %add3A = arith.constant 250 : i32
    %add3A_0 = arith.addi %add3A, %arg0 : i32
    %c0_i32 = arith.constant 0 : i32
    %c0_i32_1 = arith.constant 0 : i32
    return %add3A_0, %c0_i32 : i32, i32
  }
  func.func @transform_7(%arg0: i32) -> (i32, i32) {
    %add3A = arith.constant 375 : i32
    %add3A_0 = arith.addi %add3A, %arg0 : i32
    %c0_i32 = arith.constant 0 : i32
    %c0_i32_1 = arith.constant 0 : i32
    return %add3A_0, %c0_i32 : i32, i32
  }
  func.func @transform_8(%arg0: i32) -> (i32, i32) {
    %add3A = arith.constant 0 : i32
    %add3A_0 = arith.addi %add3A, %arg0 : i32
    %c0_i32 = arith.constant 0 : i32
    %c0_i32_1 = arith.constant 0 : i32
    return %add3A_0, %c0_i32 : i32, i32
  }
  func.func @transform_9(%arg0: i32) -> (i32, i32) {
    %add3A = arith.constant 125 : i32
    %add3A_0 = arith.addi %add3A, %arg0 : i32
    %c0_i32 = arith.constant 0 : i32
    %c0_i32_1 = arith.constant 0 : i32
    return %add3A_0, %c0_i32 : i32, i32
  }
  func.func @transform_10(%arg0: i32) -> (i32, i32) {
    %add3A = arith.constant 250 : i32
    %add3A_0 = arith.addi %add3A, %arg0 : i32
    %c0_i32 = arith.constant 0 : i32
    %c0_i32_1 = arith.constant 0 : i32
    return %add3A_0, %c0_i32 : i32, i32
  }
  func.func @transform_11(%arg0: i32) -> (i32, i32) {
    %add3A = arith.constant 375 : i32
    %add3A_0 = arith.addi %add3A, %arg0 : i32
    %c0_i32 = arith.constant 0 : i32
    %c0_i32_1 = arith.constant 0 : i32
    return %add3A_0, %c0_i32 : i32, i32
  }
  func.func @transform_12(%arg0: i32) -> (i32, i32) {
    %c0_i32 = arith.constant 0 : i32
    %c0_i32_0 = arith.constant 0 : i32
    return %arg0, %c0_i32 : i32, i32
  }
  func.func @transform_13(%arg0: i32) -> (i32, i32) {
    %c0_i32 = arith.constant 0 : i32
    %c0_i32_0 = arith.constant 0 : i32
    return %arg0, %c0_i32 : i32, i32
  }
  func.func @transform_14(%arg0: i32) -> (i32, i32) {
    %c0_i32 = arith.constant 0 : i32
    %c0_i32_0 = arith.constant 0 : i32
    return %arg0, %c0_i32 : i32, i32
  }
}

module attributes {stable_mosaic.version = 14 : i64} {
  func.func @body(%arg0: i32, %arg1: memref<512x128xf32, #tpu.memory_space<vmem>>, %arg2: memref<512x128xf32, #tpu.memory_space<vmem>>, %arg3: memref<512x128xf32, #tpu.memory_space<vmem>>, %arg4: memref<512x128xf32, #tpu.memory_space<vmem>>, %arg5: memref<512x16x128xf32, #tpu.memory_space<vmem>>, %arg6: memref<512x1xi32, #tpu.memory_space<vmem>>, %arg7: memref<512x1xi32, #tpu.memory_space<vmem>>, %arg8: memref<512x1xi32, #tpu.memory_space<vmem>>, %arg9: memref<512x16xi32, #tpu.memory_space<vmem>>, %arg10: memref<512x1xf32, #tpu.memory_space<vmem>>, %arg11: memref<512x16xf32, #tpu.memory_space<vmem>>, %arg12: memref<1x1xf32, #tpu.memory_space<vmem>>, %arg13: memref<512x32xf32, #tpu.memory_space<vmem>>, %arg14: memref<512x32xf32, #tpu.memory_space<vmem>>) attributes {dimension_semantics = [#tpu.dimension_semantics<arbitrary>], iteration_bounds = array<i64: 32>, scalar_prefetch = 0 : i64, scratch_operands = 0 : i64, tpu.core_type = #tpu.core_type<tc>, window_params = [{transform_indices = @transform_0, window_bounds = array<i64: 512, 128>}, {transform_indices = @transform_1, window_bounds = array<i64: 512, 128>}, {transform_indices = @transform_2, window_bounds = array<i64: 512, 128>}, {transform_indices = @transform_3, window_bounds = array<i64: 512, 128>}, {transform_indices = @transform_4, window_bounds = array<i64: 512, 16, 128>}, {transform_indices = @transform_5, window_bounds = array<i64: 512, 1>}, {transform_indices = @transform_6, window_bounds = array<i64: 512, 1>}, {transform_indices = @transform_7, window_bounds = array<i64: 512, 1>}, {transform_indices = @transform_8, window_bounds = array<i64: 512, 16>}, {transform_indices = @transform_9, window_bounds = array<i64: 512, 1>}, {transform_indices = @transform_10, window_bounds = array<i64: 512, 16>}, {pipeline_mode = #tpu.pipeline_mode<synchronous>, transform_indices = @transform_11, window_bounds = array<i64: 1, 1>}, {transform_indices = @transform_12, window_bounds = array<i64: 512, 32>}, {transform_indices = @transform_13, window_bounds = array<i64: 512, 32>}]} {
    %get3A = arith.constant 0 : index
    %get3A_0 = arith.constant 0 : index
    %get3A_1 = vector.load %arg1[%get3A, %get3A_0] : memref<512x128xf32, #tpu.memory_space<vmem>>, vector<512x128xf32>
    %get3A_2 = arith.constant 0 : index
    %get3A_3 = arith.constant 0 : index
    %get3A_4 = vector.load %arg6[%get3A_2, %get3A_3] : memref<512x1xi32, #tpu.memory_space<vmem>>, vector<512x1xi32>
    %slice3A = vector.extract_strided_slice %get3A_1 {offsets = [0, 0], sizes = [512, 32], strides = [1, 1]} : vector<512x128xf32> to vector<512x32xf32>
    %eq3A = arith.constant 1 : i32
    %eq3A_5 = vector.broadcast %eq3A : i32 to vector<512x1xi32>
    %eq3A_6 = arith.cmpi eq, %get3A_4, %eq3A_5 : vector<512x1xi32>
    %slice3A_7 = vector.extract_strided_slice %get3A_1 {offsets = [0, 32], sizes = [512, 32], strides = [1, 1]} : vector<512x128xf32> to vector<512x32xf32>
    %broadcast_in_dim3A = vector.shape_cast %eq3A_6 : vector<512x1xi1> to vector<512x1xi1>
    %broadcast_in_dim3A_8 = vector.broadcast %broadcast_in_dim3A : vector<512x1xi1> to vector<512x32xi1>
    %select_n3A = arith.select %broadcast_in_dim3A_8, %slice3A_7, %slice3A : vector<512x32xi1>, vector<512x32xf32>
    %eq3A_9 = arith.constant 2 : i32
    %eq3A_10 = vector.broadcast %eq3A_9 : i32 to vector<512x1xi32>
    %eq3A_11 = arith.cmpi eq, %get3A_4, %eq3A_10 : vector<512x1xi32>
    %slice3A_12 = vector.extract_strided_slice %get3A_1 {offsets = [0, 64], sizes = [512, 32], strides = [1, 1]} : vector<512x128xf32> to vector<512x32xf32>
    %broadcast_in_dim3A_13 = vector.shape_cast %eq3A_11 : vector<512x1xi1> to vector<512x1xi1>
    %broadcast_in_dim3A_14 = vector.broadcast %broadcast_in_dim3A_13 : vector<512x1xi1> to vector<512x32xi1>
    %select_n3A_15 = arith.select %broadcast_in_dim3A_14, %slice3A_12, %select_n3A : vector<512x32xi1>, vector<512x32xf32>
    %eq3A_16 = arith.constant 3 : i32
    %eq3A_17 = vector.broadcast %eq3A_16 : i32 to vector<512x1xi32>
    %eq3A_18 = arith.cmpi eq, %get3A_4, %eq3A_17 : vector<512x1xi32>
    %slice3A_19 = vector.extract_strided_slice %get3A_1 {offsets = [0, 96], sizes = [512, 32], strides = [1, 1]} : vector<512x128xf32> to vector<512x32xf32>
    %broadcast_in_dim3A_20 = vector.shape_cast %eq3A_18 : vector<512x1xi1> to vector<512x1xi1>
    %broadcast_in_dim3A_21 = vector.broadcast %broadcast_in_dim3A_20 : vector<512x1xi1> to vector<512x32xi1>
    %select_n3A_22 = arith.select %broadcast_in_dim3A_21, %slice3A_19, %select_n3A_15 : vector<512x32xi1>, vector<512x32xf32>
    %get3A_23 = arith.constant 0 : index
    %get3A_24 = arith.constant 0 : index
    %get3A_25 = vector.load %arg2[%get3A_23, %get3A_24] : memref<512x128xf32, #tpu.memory_space<vmem>>, vector<512x128xf32>
    %get3A_26 = arith.constant 0 : index
    %get3A_27 = arith.constant 0 : index
    %get3A_28 = vector.load %arg7[%get3A_26, %get3A_27] : memref<512x1xi32, #tpu.memory_space<vmem>>, vector<512x1xi32>
    %slice3A_29 = vector.extract_strided_slice %get3A_25 {offsets = [0, 0], sizes = [512, 32], strides = [1, 1]} : vector<512x128xf32> to vector<512x32xf32>
    %eq3A_30 = arith.constant 1 : i32
    %eq3A_31 = vector.broadcast %eq3A_30 : i32 to vector<512x1xi32>
    %eq3A_32 = arith.cmpi eq, %get3A_28, %eq3A_31 : vector<512x1xi32>
    %slice3A_33 = vector.extract_strided_slice %get3A_25 {offsets = [0, 32], sizes = [512, 32], strides = [1, 1]} : vector<512x128xf32> to vector<512x32xf32>
    %broadcast_in_dim3A_34 = vector.shape_cast %eq3A_32 : vector<512x1xi1> to vector<512x1xi1>
    %broadcast_in_dim3A_35 = vector.broadcast %broadcast_in_dim3A_34 : vector<512x1xi1> to vector<512x32xi1>
    %select_n3A_36 = arith.select %broadcast_in_dim3A_35, %slice3A_33, %slice3A_29 : vector<512x32xi1>, vector<512x32xf32>
    %eq3A_37 = arith.constant 2 : i32
    %eq3A_38 = vector.broadcast %eq3A_37 : i32 to vector<512x1xi32>
    %eq3A_39 = arith.cmpi eq, %get3A_28, %eq3A_38 : vector<512x1xi32>
    %slice3A_40 = vector.extract_strided_slice %get3A_25 {offsets = [0, 64], sizes = [512, 32], strides = [1, 1]} : vector<512x128xf32> to vector<512x32xf32>
    %broadcast_in_dim3A_41 = vector.shape_cast %eq3A_39 : vector<512x1xi1> to vector<512x1xi1>
    %broadcast_in_dim3A_42 = vector.broadcast %broadcast_in_dim3A_41 : vector<512x1xi1> to vector<512x32xi1>
    %select_n3A_43 = arith.select %broadcast_in_dim3A_42, %slice3A_40, %select_n3A_36 : vector<512x32xi1>, vector<512x32xf32>
    %eq3A_44 = arith.constant 3 : i32
    %eq3A_45 = vector.broadcast %eq3A_44 : i32 to vector<512x1xi32>
    %eq3A_46 = arith.cmpi eq, %get3A_28, %eq3A_45 : vector<512x1xi32>
    %slice3A_47 = vector.extract_strided_slice %get3A_25 {offsets = [0, 96], sizes = [512, 32], strides = [1, 1]} : vector<512x128xf32> to vector<512x32xf32>
    %broadcast_in_dim3A_48 = vector.shape_cast %eq3A_46 : vector<512x1xi1> to vector<512x1xi1>
    %broadcast_in_dim3A_49 = vector.broadcast %broadcast_in_dim3A_48 : vector<512x1xi1> to vector<512x32xi1>
    %select_n3A_50 = arith.select %broadcast_in_dim3A_49, %slice3A_47, %select_n3A_43 : vector<512x32xi1>, vector<512x32xf32>
    %get3A_51 = arith.constant 0 : index
    %get3A_52 = arith.constant 0 : index
    %get3A_53 = vector.load %arg3[%get3A_51, %get3A_52] : memref<512x128xf32, #tpu.memory_space<vmem>>, vector<512x128xf32>
    %get3A_54 = arith.constant 0 : index
    %get3A_55 = arith.constant 0 : index
    %get3A_56 = vector.load %arg6[%get3A_54, %get3A_55] : memref<512x1xi32, #tpu.memory_space<vmem>>, vector<512x1xi32>
    %slice3A_57 = vector.extract_strided_slice %get3A_53 {offsets = [0, 0], sizes = [512, 32], strides = [1, 1]} : vector<512x128xf32> to vector<512x32xf32>
    %eq3A_58 = arith.constant 1 : i32
    %eq3A_59 = vector.broadcast %eq3A_58 : i32 to vector<512x1xi32>
    %eq3A_60 = arith.cmpi eq, %get3A_56, %eq3A_59 : vector<512x1xi32>
    %slice3A_61 = vector.extract_strided_slice %get3A_53 {offsets = [0, 32], sizes = [512, 32], strides = [1, 1]} : vector<512x128xf32> to vector<512x32xf32>
    %broadcast_in_dim3A_62 = vector.shape_cast %eq3A_60 : vector<512x1xi1> to vector<512x1xi1>
    %broadcast_in_dim3A_63 = vector.broadcast %broadcast_in_dim3A_62 : vector<512x1xi1> to vector<512x32xi1>
    %select_n3A_64 = arith.select %broadcast_in_dim3A_63, %slice3A_61, %slice3A_57 : vector<512x32xi1>, vector<512x32xf32>
    %eq3A_65 = arith.constant 2 : i32
    %eq3A_66 = vector.broadcast %eq3A_65 : i32 to vector<512x1xi32>
    %eq3A_67 = arith.cmpi eq, %get3A_56, %eq3A_66 : vector<512x1xi32>
    %slice3A_68 = vector.extract_strided_slice %get3A_53 {offsets = [0, 64], sizes = [512, 32], strides = [1, 1]} : vector<512x128xf32> to vector<512x32xf32>
    %broadcast_in_dim3A_69 = vector.shape_cast %eq3A_67 : vector<512x1xi1> to vector<512x1xi1>
    %broadcast_in_dim3A_70 = vector.broadcast %broadcast_in_dim3A_69 : vector<512x1xi1> to vector<512x32xi1>
    %select_n3A_71 = arith.select %broadcast_in_dim3A_70, %slice3A_68, %select_n3A_64 : vector<512x32xi1>, vector<512x32xf32>
    %eq3A_72 = arith.constant 3 : i32
    %eq3A_73 = vector.broadcast %eq3A_72 : i32 to vector<512x1xi32>
    %eq3A_74 = arith.cmpi eq, %get3A_56, %eq3A_73 : vector<512x1xi32>
    %slice3A_75 = vector.extract_strided_slice %get3A_53 {offsets = [0, 96], sizes = [512, 32], strides = [1, 1]} : vector<512x128xf32> to vector<512x32xf32>
    %broadcast_in_dim3A_76 = vector.shape_cast %eq3A_74 : vector<512x1xi1> to vector<512x1xi1>
    %broadcast_in_dim3A_77 = vector.broadcast %broadcast_in_dim3A_76 : vector<512x1xi1> to vector<512x32xi1>
    %select_n3A_78 = arith.select %broadcast_in_dim3A_77, %slice3A_75, %select_n3A_71 : vector<512x32xi1>, vector<512x32xf32>
    %get3A_79 = arith.constant 0 : index
    %get3A_80 = arith.constant 0 : index
    %get3A_81 = vector.load %arg4[%get3A_79, %get3A_80] : memref<512x128xf32, #tpu.memory_space<vmem>>, vector<512x128xf32>
    %get3A_82 = arith.constant 0 : index
    %get3A_83 = arith.constant 0 : index
    %get3A_84 = vector.load %arg8[%get3A_82, %get3A_83] : memref<512x1xi32, #tpu.memory_space<vmem>>, vector<512x1xi32>
    %slice3A_85 = vector.extract_strided_slice %get3A_81 {offsets = [0, 0], sizes = [512, 32], strides = [1, 1]} : vector<512x128xf32> to vector<512x32xf32>
    %eq3A_86 = arith.constant 1 : i32
    %eq3A_87 = vector.broadcast %eq3A_86 : i32 to vector<512x1xi32>
    %eq3A_88 = arith.cmpi eq, %get3A_84, %eq3A_87 : vector<512x1xi32>
    %slice3A_89 = vector.extract_strided_slice %get3A_81 {offsets = [0, 32], sizes = [512, 32], strides = [1, 1]} : vector<512x128xf32> to vector<512x32xf32>
    %broadcast_in_dim3A_90 = vector.shape_cast %eq3A_88 : vector<512x1xi1> to vector<512x1xi1>
    %broadcast_in_dim3A_91 = vector.broadcast %broadcast_in_dim3A_90 : vector<512x1xi1> to vector<512x32xi1>
    %select_n3A_92 = arith.select %broadcast_in_dim3A_91, %slice3A_89, %slice3A_85 : vector<512x32xi1>, vector<512x32xf32>
    %eq3A_93 = arith.constant 2 : i32
    %eq3A_94 = vector.broadcast %eq3A_93 : i32 to vector<512x1xi32>
    %eq3A_95 = arith.cmpi eq, %get3A_84, %eq3A_94 : vector<512x1xi32>
    %slice3A_96 = vector.extract_strided_slice %get3A_81 {offsets = [0, 64], sizes = [512, 32], strides = [1, 1]} : vector<512x128xf32> to vector<512x32xf32>
    %broadcast_in_dim3A_97 = vector.shape_cast %eq3A_95 : vector<512x1xi1> to vector<512x1xi1>
    %broadcast_in_dim3A_98 = vector.broadcast %broadcast_in_dim3A_97 : vector<512x1xi1> to vector<512x32xi1>
    %select_n3A_99 = arith.select %broadcast_in_dim3A_98, %slice3A_96, %select_n3A_92 : vector<512x32xi1>, vector<512x32xf32>
    %eq3A_100 = arith.constant 3 : i32
    %eq3A_101 = vector.broadcast %eq3A_100 : i32 to vector<512x1xi32>
    %eq3A_102 = arith.cmpi eq, %get3A_84, %eq3A_101 : vector<512x1xi32>
    %slice3A_103 = vector.extract_strided_slice %get3A_81 {offsets = [0, 96], sizes = [512, 32], strides = [1, 1]} : vector<512x128xf32> to vector<512x32xf32>
    %broadcast_in_dim3A_104 = vector.shape_cast %eq3A_102 : vector<512x1xi1> to vector<512x1xi1>
    %broadcast_in_dim3A_105 = vector.broadcast %broadcast_in_dim3A_104 : vector<512x1xi1> to vector<512x32xi1>
    %select_n3A_106 = arith.select %broadcast_in_dim3A_105, %slice3A_103, %select_n3A_99 : vector<512x32xi1>, vector<512x32xf32>
    %get3A_107 = arith.constant 0 : index
    %get3A_108 = arith.constant 0 : index
    %get3A_109 = arith.constant 0 : index
    %get3A_110 = vector.load %arg5[%get3A_107, %get3A_108, %get3A_109] : memref<512x16x128xf32, #tpu.memory_space<vmem>>, vector<512x16x128xf32>
    %get3A_111 = arith.constant 0 : index
    %get3A_112 = arith.constant 0 : index
    %get3A_113 = vector.load %arg9[%get3A_111, %get3A_112] : memref<512x16xi32, #tpu.memory_space<vmem>>, vector<512x16xi32>
    %broadcast_in_dim3A_114 = vector.shape_cast %get3A_113 : vector<512x16xi32> to vector<512x16x1xi32>
    %slice3A_115 = vector.extract_strided_slice %get3A_110 {offsets = [0, 0, 0], sizes = [512, 16, 32], strides = [1, 1, 1]} : vector<512x16x128xf32> to vector<512x16x32xf32>
    %eq3A_116 = arith.constant 1 : i32
    %eq3A_117 = vector.broadcast %eq3A_116 : i32 to vector<512x16x1xi32>
    %eq3A_118 = arith.cmpi eq, %broadcast_in_dim3A_114, %eq3A_117 : vector<512x16x1xi32>
    %slice3A_119 = vector.extract_strided_slice %get3A_110 {offsets = [0, 0, 32], sizes = [512, 16, 32], strides = [1, 1, 1]} : vector<512x16x128xf32> to vector<512x16x32xf32>
    %broadcast_in_dim3A_120 = vector.shape_cast %eq3A_118 : vector<512x16x1xi1> to vector<512x16x1xi1>
    %broadcast_in_dim3A_121 = vector.broadcast %broadcast_in_dim3A_120 : vector<512x16x1xi1> to vector<512x16x32xi1>
    %select_n3A_122 = arith.select %broadcast_in_dim3A_121, %slice3A_119, %slice3A_115 : vector<512x16x32xi1>, vector<512x16x32xf32>
    %eq3A_123 = arith.constant 2 : i32
    %eq3A_124 = vector.broadcast %eq3A_123 : i32 to vector<512x16x1xi32>
    %eq3A_125 = arith.cmpi eq, %broadcast_in_dim3A_114, %eq3A_124 : vector<512x16x1xi32>
    %slice3A_126 = vector.extract_strided_slice %get3A_110 {offsets = [0, 0, 64], sizes = [512, 16, 32], strides = [1, 1, 1]} : vector<512x16x128xf32> to vector<512x16x32xf32>
    %broadcast_in_dim3A_127 = vector.shape_cast %eq3A_125 : vector<512x16x1xi1> to vector<512x16x1xi1>
    %broadcast_in_dim3A_128 = vector.broadcast %broadcast_in_dim3A_127 : vector<512x16x1xi1> to vector<512x16x32xi1>
    %select_n3A_129 = arith.select %broadcast_in_dim3A_128, %slice3A_126, %select_n3A_122 : vector<512x16x32xi1>, vector<512x16x32xf32>
    %eq3A_130 = arith.constant 3 : i32
    %eq3A_131 = vector.broadcast %eq3A_130 : i32 to vector<512x16x1xi32>
    %eq3A_132 = arith.cmpi eq, %broadcast_in_dim3A_114, %eq3A_131 : vector<512x16x1xi32>
    %slice3A_133 = vector.extract_strided_slice %get3A_110 {offsets = [0, 0, 96], sizes = [512, 16, 32], strides = [1, 1, 1]} : vector<512x16x128xf32> to vector<512x16x32xf32>
    %broadcast_in_dim3A_134 = vector.shape_cast %eq3A_132 : vector<512x16x1xi1> to vector<512x16x1xi1>
    %broadcast_in_dim3A_135 = vector.broadcast %broadcast_in_dim3A_134 : vector<512x16x1xi1> to vector<512x16x32xi1>
    %select_n3A_136 = arith.select %broadcast_in_dim3A_135, %slice3A_133, %select_n3A_129 : vector<512x16x32xi1>, vector<512x16x32xf32>
    %mul3A = arith.mulf %select_n3A_22, %select_n3A_22 : vector<512x32xf32>
    %reduce_sum3A = arith.constant dense<0.000000e+00> : vector<512xf32>
    %reduce_sum3A_137 = vector.multi_reduction <add>, %mul3A, %reduce_sum3A [1] : vector<512x32xf32> to vector<512xf32>
    %broadcast_in_dim3A_138 = vector.shape_cast %reduce_sum3A_137 : vector<512xf32> to vector<512x1xf32>
    %sqrt3A = math.sqrt %broadcast_in_dim3A_138 : vector<512x1xf32>
    %max3A = arith.constant 9.99999996E-13 : f32
    %max3A_139 = vector.broadcast %max3A : f32 to vector<512x1xf32>
    %max3A_140 = arith.maximumf %sqrt3A, %max3A_139 : vector<512x1xf32>
    %div3A = arith.constant 1.000000e+00 : f32
    %div3A_141 = vector.broadcast %div3A : f32 to vector<512x1xf32>
    %div3A_142 = arith.divf %div3A_141, %max3A_140 : vector<512x1xf32>
    %mul3A_143 = vector.broadcast %div3A_142 : vector<512x1xf32> to vector<512x32xf32>
    %mul3A_144 = arith.mulf %select_n3A_22, %mul3A_143 : vector<512x32xf32>
    %mul3A_145 = arith.mulf %select_n3A_50, %mul3A_144 : vector<512x32xf32>
    %reduce_sum3A_146 = arith.constant dense<0.000000e+00> : vector<512xf32>
    %reduce_sum3A_147 = vector.multi_reduction <add>, %mul3A_145, %reduce_sum3A_146 [1] : vector<512x32xf32> to vector<512xf32>
    %broadcast_in_dim3A_148 = vector.shape_cast %reduce_sum3A_147 : vector<512xf32> to vector<512x1xf32>
    %mul3A_149 = arith.mulf %select_n3A_50, %select_n3A_50 : vector<512x32xf32>
    %reduce_sum3A_150 = arith.constant dense<0.000000e+00> : vector<512xf32>
    %reduce_sum3A_151 = vector.multi_reduction <add>, %mul3A_149, %reduce_sum3A_150 [1] : vector<512x32xf32> to vector<512xf32>
    %broadcast_in_dim3A_152 = vector.shape_cast %reduce_sum3A_151 : vector<512xf32> to vector<512x1xf32>
    %sqrt3A_153 = math.sqrt %broadcast_in_dim3A_152 : vector<512x1xf32>
    %max3A_154 = arith.constant 9.99999996E-13 : f32
    %max3A_155 = vector.broadcast %max3A_154 : f32 to vector<512x1xf32>
    %max3A_156 = arith.maximumf %sqrt3A_153, %max3A_155 : vector<512x1xf32>
    %div3A_157 = arith.constant 1.000000e+00 : f32
    %div3A_158 = vector.broadcast %div3A_157 : f32 to vector<512x1xf32>
    %div3A_159 = arith.divf %div3A_158, %max3A_156 : vector<512x1xf32>
    %mul3A_160 = arith.mulf %broadcast_in_dim3A_148, %div3A_159 : vector<512x1xf32>
    %swap3A = arith.constant 0 : index
    %swap3A_161 = arith.constant 0 : index
    %swap3A_162 = vector.load %arg10[%swap3A, %swap3A_161] : memref<512x1xf32, #tpu.memory_space<vmem>>, vector<512x1xf32>
    tpu.vector_store %arg10[%swap3A, %swap3A_161], %mul3A_160 {strides = array<i32>} : memref<512x1xf32, #tpu.memory_space<vmem>>, vector<512x1xf32>,
    %broadcast_in_dim3A_163 = vector.shape_cast %mul3A_144 : vector<512x32xf32> to vector<512x1x32xf32>
    %mul3A_164 = vector.broadcast %broadcast_in_dim3A_163 : vector<512x1x32xf32> to vector<512x16x32xf32>
    %mul3A_165 = arith.mulf %select_n3A_136, %mul3A_164 : vector<512x16x32xf32>
    %reduce_sum3A_166 = arith.constant dense<0.000000e+00> : vector<512x16xf32>
    %reduce_sum3A_167 = vector.multi_reduction <add>, %mul3A_165, %reduce_sum3A_166 [2] : vector<512x16x32xf32> to vector<512x16xf32>
    %mul3A_168 = arith.mulf %select_n3A_136, %select_n3A_136 : vector<512x16x32xf32>
    %reduce_sum3A_169 = arith.constant dense<0.000000e+00> : vector<512x16xf32>
    %reduce_sum3A_170 = vector.multi_reduction <add>, %mul3A_168, %reduce_sum3A_169 [2] : vector<512x16x32xf32> to vector<512x16xf32>
    %sqrt3A_171 = math.sqrt %reduce_sum3A_170 : vector<512x16xf32>
    %max3A_172 = arith.constant 9.99999996E-13 : f32
    %max3A_173 = vector.broadcast %max3A_172 : f32 to vector<512x16xf32>
    %max3A_174 = arith.maximumf %sqrt3A_171, %max3A_173 : vector<512x16xf32>
    %div3A_175 = arith.divf %reduce_sum3A_167, %max3A_174 : vector<512x16xf32>
    %swap3A_176 = arith.constant 0 : index
    %swap3A_177 = arith.constant 0 : index
    %swap3A_178 = vector.load %arg11[%swap3A_176, %swap3A_177] : memref<512x16xf32, #tpu.memory_space<vmem>>, vector<512x16xf32>
    tpu.vector_store %arg11[%swap3A_176, %swap3A_177], %div3A_175 {strides = array<i32>} : memref<512x16xf32, #tpu.memory_space<vmem>>, vector<512x16xf32>,
    %sign3A = tpu.bitcast %select_n3A_22 : vector<512x32xf32> -> vector<512x32xi32>
    %sign3A_179 = arith.constant -2147483648 : i32
    %sign3A_180 = vector.broadcast %sign3A_179 : i32 to vector<512x32xi32>
    %sign3A_181 = arith.andi %sign3A, %sign3A_180 : vector<512x32xi32>
    %sign3A_182 = arith.constant 1065353216 : i32
    %sign3A_183 = vector.broadcast %sign3A_182 : i32 to vector<512x32xi32>
    %sign3A_184 = arith.ori %sign3A_183, %sign3A_181 : vector<512x32xi32>
    %sign3A_185 = tpu.bitcast %sign3A_184 : vector<512x32xi32> -> vector<512x32xf32>
    %sign3A_186 = math.absf %select_n3A_22 : vector<512x32xf32>
    %sign3A_187 = arith.constant 0.000000e+00 : f32
    %sign3A_188 = vector.broadcast %sign3A_187 : f32 to vector<512x32xf32>
    %sign3A_189 = arith.cmpf ogt, %sign3A_186, %sign3A_188 : vector<512x32xf32>
    %sign3A_190 = arith.select %sign3A_189, %sign3A_185, %select_n3A_22 : vector<512x32xi1>, vector<512x32xf32>
    %mul3A_191 = arith.mulf %select_n3A_78, %select_n3A_78 : vector<512x32xf32>
    %reduce_sum3A_192 = arith.constant dense<0.000000e+00> : vector<512xf32>
    %reduce_sum3A_193 = vector.multi_reduction <add>, %mul3A_191, %reduce_sum3A_192 [1] : vector<512x32xf32> to vector<512xf32>
    %broadcast_in_dim3A_194 = vector.shape_cast %reduce_sum3A_193 : vector<512xf32> to vector<512x1xf32>
    %sqrt3A_195 = math.sqrt %broadcast_in_dim3A_194 : vector<512x1xf32>
    %max3A_196 = arith.constant 9.99999996E-13 : f32
    %max3A_197 = vector.broadcast %max3A_196 : f32 to vector<512x1xf32>
    %max3A_198 = arith.maximumf %sqrt3A_195, %max3A_197 : vector<512x1xf32>
    %div3A_199 = arith.constant 1.000000e+00 : f32
    %div3A_200 = vector.broadcast %div3A_199 : f32 to vector<512x1xf32>
    %div3A_201 = arith.divf %div3A_200, %max3A_198 : vector<512x1xf32>
    %mul3A_202 = vector.broadcast %div3A_201 : vector<512x1xf32> to vector<512x32xf32>
    %mul3A_203 = arith.mulf %select_n3A_78, %mul3A_202 : vector<512x32xf32>
    %mul3A_204 = arith.mulf %sign3A_190, %mul3A_203 : vector<512x32xf32>
    %mul3A_205 = arith.constant 3.000000e-02 : f32
    %mul3A_206 = vector.broadcast %mul3A_205 : f32 to vector<512x32xf32>
    %mul3A_207 = arith.mulf %mul3A_204, %mul3A_206 : vector<512x32xf32>
    %add3A = arith.addf %select_n3A_22, %mul3A_207 : vector<512x32xf32>
    %swap3A_208 = arith.constant 0 : index
    %swap3A_209 = arith.constant 0 : index
    %swap3A_210 = vector.load %arg13[%swap3A_208, %swap3A_209] : memref<512x32xf32, #tpu.memory_space<vmem>>, vector<512x32xf32>
    tpu.vector_store %arg13[%swap3A_208, %swap3A_209], %add3A {strides = array<i32>} : memref<512x32xf32, #tpu.memory_space<vmem>>, vector<512x32xf32>,
    %sign3A_211 = tpu.bitcast %select_n3A_50 : vector<512x32xf32> -> vector<512x32xi32>
    %sign3A_212 = arith.constant -2147483648 : i32
    %sign3A_213 = vector.broadcast %sign3A_212 : i32 to vector<512x32xi32>
    %sign3A_214 = arith.andi %sign3A_211, %sign3A_213 : vector<512x32xi32>
    %sign3A_215 = arith.constant 1065353216 : i32
    %sign3A_216 = vector.broadcast %sign3A_215 : i32 to vector<512x32xi32>
    %sign3A_217 = arith.ori %sign3A_216, %sign3A_214 : vector<512x32xi32>
    %sign3A_218 = tpu.bitcast %sign3A_217 : vector<512x32xi32> -> vector<512x32xf32>
    %sign3A_219 = math.absf %select_n3A_50 : vector<512x32xf32>
    %sign3A_220 = arith.constant 0.000000e+00 : f32
    %sign3A_221 = vector.broadcast %sign3A_220 : f32 to vector<512x32xf32>
    %sign3A_222 = arith.cmpf ogt, %sign3A_219, %sign3A_221 : vector<512x32xf32>
    %sign3A_223 = arith.select %sign3A_222, %sign3A_218, %select_n3A_50 : vector<512x32xi1>, vector<512x32xf32>
    %mul3A_224 = arith.mulf %select_n3A_106, %select_n3A_106 : vector<512x32xf32>
    %reduce_sum3A_225 = arith.constant dense<0.000000e+00> : vector<512xf32>
    %reduce_sum3A_226 = vector.multi_reduction <add>, %mul3A_224, %reduce_sum3A_225 [1] : vector<512x32xf32> to vector<512xf32>
    %broadcast_in_dim3A_227 = vector.shape_cast %reduce_sum3A_226 : vector<512xf32> to vector<512x1xf32>
    %sqrt3A_228 = math.sqrt %broadcast_in_dim3A_227 : vector<512x1xf32>
    %max3A_229 = arith.constant 9.99999996E-13 : f32
    %max3A_230 = vector.broadcast %max3A_229 : f32 to vector<512x1xf32>
    %max3A_231 = arith.maximumf %sqrt3A_228, %max3A_230 : vector<512x1xf32>
    %div3A_232 = arith.constant 1.000000e+00 : f32
    %div3A_233 = vector.broadcast %div3A_232 : f32 to vector<512x1xf32>
    %div3A_234 = arith.divf %div3A_233, %max3A_231 : vector<512x1xf32>
    %mul3A_235 = vector.broadcast %div3A_234 : vector<512x1xf32> to vector<512x32xf32>
    %mul3A_236 = arith.mulf %select_n3A_106, %mul3A_235 : vector<512x32xf32>
    %mul3A_237 = arith.mulf %sign3A_223, %mul3A_236 : vector<512x32xf32>
    %mul3A_238 = arith.constant 3.000000e-02 : f32
    %mul3A_239 = vector.broadcast %mul3A_238 : f32 to vector<512x32xf32>
    %mul3A_240 = arith.mulf %mul3A_237, %mul3A_239 : vector<512x32xf32>
    %add3A_241 = arith.addf %select_n3A_50, %mul3A_240 : vector<512x32xf32>
    %swap3A_242 = arith.constant 0 : index
    %swap3A_243 = arith.constant 0 : index
    %swap3A_244 = vector.load %arg14[%swap3A_242, %swap3A_243] : memref<512x32xf32, #tpu.memory_space<vmem>>, vector<512x32xf32>
    tpu.vector_store %arg14[%swap3A_242, %swap3A_243], %add3A_241 {strides = array<i32>} : memref<512x32xf32, #tpu.memory_space<vmem>>, vector<512x32xf32>,
    %mul3A_245 = arith.mulf %select_n3A_22, %select_n3A_22 : vector<512x32xf32>
    %reduce_sum3A_246 = vector.shape_cast %mul3A_245 : vector<512x32xf32> to vector<1x512x32xf32>
    %reduce_sum3A_247 = arith.constant dense<0.000000e+00> : vector<1xf32>
    %reduce_sum3A_248 = vector.multi_reduction <add>, %reduce_sum3A_246, %reduce_sum3A_247 [1, 2] : vector<1x512x32xf32> to vector<1xf32>
    %reduce_sum3A_249 = vector.shape_cast %reduce_sum3A_248 : vector<1xf32> to vector<1x1x1xf32>
    %reduce_sum3A_250 = vector.extract %reduce_sum3A_249[0, 0, 0] : f32 from vector<1x1x1xf32>
    %mul3A_251 = arith.mulf %select_n3A_50, %select_n3A_50 : vector<512x32xf32>
    %reduce_sum3A_252 = vector.shape_cast %mul3A_251 : vector<512x32xf32> to vector<1x512x32xf32>
    %reduce_sum3A_253 = arith.constant dense<0.000000e+00> : vector<1xf32>
    %reduce_sum3A_254 = vector.multi_reduction <add>, %reduce_sum3A_252, %reduce_sum3A_253 [1, 2] : vector<1x512x32xf32> to vector<1xf32>
    %reduce_sum3A_255 = vector.shape_cast %reduce_sum3A_254 : vector<1xf32> to vector<1x1x1xf32>
    %reduce_sum3A_256 = vector.extract %reduce_sum3A_255[0, 0, 0] : f32 from vector<1x1x1xf32>
    %add3A_257 = arith.addf %reduce_sum3A_250, %reduce_sum3A_256 : f32
    %mul3A_258 = arith.mulf %select_n3A_136, %select_n3A_136 : vector<512x16x32xf32>
    %reduce_sum3A_259 = vector.shape_cast %mul3A_258 : vector<512x16x32xf32> to vector<1x512x16x32xf32>
    %reduce_sum3A_260 = arith.constant dense<0.000000e+00> : vector<1xf32>
    %reduce_sum3A_261 = vector.multi_reduction <add>, %reduce_sum3A_259, %reduce_sum3A_260 [1, 2, 3] : vector<1x512x16x32xf32> to vector<1xf32>
    %reduce_sum3A_262 = vector.shape_cast %reduce_sum3A_261 : vector<1xf32> to vector<1x1x1x1xf32>
    %reduce_sum3A_263 = vector.extract %reduce_sum3A_262[0, 0, 0, 0] : f32 from vector<1x1x1x1xf32>
    %add3A_264 = arith.addf %add3A_257, %reduce_sum3A_263 : f32
    %eq3A_265 = arith.constant 0 : i32
    %eq3A_266 = arith.cmpi eq, %arg0, %eq3A_265 : i32
    %convert_element_type3A = arith.extui %eq3A_266 : i1 to i32
    %cond3A = arith.constant 0 : i32
    %cond3A_267 = arith.cmpi ne, %convert_element_type3A, %cond3A : i32
    scf.if %cond3A_267 {
      %broadcast_in_dim3A_281 = arith.constant 0.000000e+00 : f32
      %broadcast_in_dim3A_282 = vector.broadcast %broadcast_in_dim3A_281 : f32 to vector<1x1xf32>
      %swap3A_283 = arith.constant 0 : index
      %swap3A_284 = arith.constant 0 : index
      %swap3A_285 = vector.load %arg12[%swap3A_283, %swap3A_284] : memref<1x1xf32, #tpu.memory_space<vmem>>, vector<1x1xf32>
      tpu.vector_store %arg12[%swap3A_283, %swap3A_284], %broadcast_in_dim3A_282 {strides = array<i32>} : memref<1x1xf32, #tpu.memory_space<vmem>>, vector<1x1xf32>,
    } else {
    }
    %get3A_268 = arith.constant 0 : index
    %get3A_269 = arith.constant 0 : index
    %get3A_270 = vector.load %arg12[%get3A_268, %get3A_269] : memref<1x1xf32, #tpu.memory_space<vmem>>, vector<1x1xf32>
    %add3A_271 = vector.broadcast %add3A_264 : f32 to vector<1x1xf32>
    %add3A_272 = arith.addf %get3A_270, %add3A_271 : vector<1x1xf32>
    %swap3A_273 = arith.constant 0 : index
    %swap3A_274 = arith.constant 0 : index
    %swap3A_275 = vector.load %arg12[%swap3A_273, %swap3A_274] : memref<1x1xf32, #tpu.memory_space<vmem>>, vector<1x1xf32>
    tpu.vector_store %arg12[%swap3A_273, %swap3A_274], %add3A_272 {strides = array<i32>} : memref<1x1xf32, #tpu.memory_space<vmem>>, vector<1x1xf32>,
    %eq3A_276 = arith.constant 31 : i32
    %eq3A_277 = arith.cmpi eq, %arg0, %eq3A_276 : i32
    %convert_element_type3A_278 = arith.extui %eq3A_277 : i1 to i32
    %cond3A_279 = arith.constant 0 : i32
    %cond3A_280 = arith.cmpi ne, %convert_element_type3A_278, %cond3A_279 : i32
    scf.if %cond3A_280 {
      %get3A_281 = arith.constant 0 : index
      %get3A_282 = arith.constant 0 : index
      %get3A_283 = vector.load %arg12[%get3A_281, %get3A_282] : memref<1x1xf32, #tpu.memory_space<vmem>>, vector<1x1xf32>
      %mul3A_284 = arith.constant 3.05175774E-9 : f32
      %mul3A_285 = vector.broadcast %mul3A_284 : f32 to vector<1x1xf32>
      %mul3A_286 = arith.mulf %get3A_283, %mul3A_285 : vector<1x1xf32>
      %swap3A_287 = arith.constant 0 : index
      %swap3A_288 = arith.constant 0 : index
      %swap3A_289 = vector.load %arg12[%swap3A_287, %swap3A_288] : memref<1x1xf32, #tpu.memory_space<vmem>>, vector<1x1xf32>
      tpu.vector_store %arg12[%swap3A_287, %swap3A_288], %mul3A_286 {strides = array<i32>} : memref<1x1xf32, #tpu.memory_space<vmem>>, vector<1x1xf32>,
    } else {
    }
    return
  }
  func.func @transform_0(%arg0: i32) -> (i32, i32) {
    %c0_i32 = arith.constant 0 : i32
    %c0_i32_0 = arith.constant 0 : i32
    return %arg0, %c0_i32 : i32, i32
  }
  func.func @transform_1(%arg0: i32) -> (i32, i32) {
    %c0_i32 = arith.constant 0 : i32
    %c0_i32_0 = arith.constant 0 : i32
    return %arg0, %c0_i32 : i32, i32
  }
  func.func @transform_2(%arg0: i32) -> (i32, i32) {
    %c0_i32 = arith.constant 0 : i32
    %c0_i32_0 = arith.constant 0 : i32
    return %arg0, %c0_i32 : i32, i32
  }
  func.func @transform_3(%arg0: i32) -> (i32, i32) {
    %c0_i32 = arith.constant 0 : i32
    %c0_i32_0 = arith.constant 0 : i32
    return %arg0, %c0_i32 : i32, i32
  }
  func.func @transform_4(%arg0: i32) -> (i32, i32, i32) {
    %c0_i32 = arith.constant 0 : i32
    %c0_i32_0 = arith.constant 0 : i32
    %c0_i32_1 = arith.constant 0 : i32
    return %arg0, %c0_i32, %c0_i32_0 : i32, i32, i32
  }
  func.func @transform_5(%arg0: i32) -> (i32, i32) {
    %c0_i32 = arith.constant 0 : i32
    %c0_i32_0 = arith.constant 0 : i32
    return %arg0, %c0_i32 : i32, i32
  }
  func.func @transform_6(%arg0: i32) -> (i32, i32) {
    %c0_i32 = arith.constant 0 : i32
    %c0_i32_0 = arith.constant 0 : i32
    return %arg0, %c0_i32 : i32, i32
  }
  func.func @transform_7(%arg0: i32) -> (i32, i32) {
    %c0_i32 = arith.constant 0 : i32
    %c0_i32_0 = arith.constant 0 : i32
    return %arg0, %c0_i32 : i32, i32
  }
  func.func @transform_8(%arg0: i32) -> (i32, i32) {
    %c0_i32 = arith.constant 0 : i32
    %c0_i32_0 = arith.constant 0 : i32
    return %arg0, %c0_i32 : i32, i32
  }
  func.func @transform_9(%arg0: i32) -> (i32, i32) {
    %c0_i32 = arith.constant 0 : i32
    %c0_i32_0 = arith.constant 0 : i32
    return %arg0, %c0_i32 : i32, i32
  }
  func.func @transform_10(%arg0: i32) -> (i32, i32) {
    %c0_i32 = arith.constant 0 : i32
    %c0_i32_0 = arith.constant 0 : i32
    return %arg0, %c0_i32 : i32, i32
  }
  func.func @transform_11(%arg0: i32) -> (i32, i32) {
    %c0_i32 = arith.constant 0 : i32
    %c0_i32_0 = arith.constant 0 : i32
    %c0_i32_1 = arith.constant 0 : i32
    return %c0_i32, %c0_i32_0 : i32, i32
  }
  func.func @transform_12(%arg0: i32) -> (i32, i32) {
    %c0_i32 = arith.constant 0 : i32
    %c0_i32_0 = arith.constant 0 : i32
    return %arg0, %c0_i32 : i32, i32
  }
  func.func @transform_13(%arg0: i32) -> (i32, i32) {
    %c0_i32 = arith.constant 0 : i32
    %c0_i32_0 = arith.constant 0 : i32
    return %arg0, %c0_i32 : i32, i32
  }
}

</mosaic_0001>

<sc_bundles>
// kernel: kernel.6.cloned.1.call-start
scs
__scs_entry_jumppad:
0x0: {  	(pc) =	sbr.rel $0x88, $3  }
0x1: {  	(tag) =	ssettag $0x0;
	lr =	simm.s32 $0x1  }
0x2: {  	[smem:$0x3F9A] =	sst lr;
	_ =	strace $0xD0000000  }
0x3: {  	_ = 	snop  }
0x4: {  	_ = 	snop  }
0x5: {  	_ = 	snop  }
0x6: {  	_ = 	snop  }
0x7: {  	_ = 	snop  }
__scs_overlays_trampoline_lowered:
0x8: {  	[smem:$0x3FA9] =	sst s0  }
0x9: {  	[smem:$0x3FAA] =	sst s1  }
0xa: {  	[smem:$0x3FAB] =	sst s2  }
0xb: {  	[smem:$0x3FAC] =	sst s3  }
0xc: {  	[smem:$0x3FAD] =	sst s4  }
0xd: {  	[smem:$0x3FAE] =	sst s5  }
0xe: {  	[smem:$0x3FAF] =	sst s6  }
0xf: {  	[smem:$0x3FB0] =	sst s7  }
0x10: {  	[smem:$0x3FB1] =	sst s8  }
0x11: {  	[smem:$0x3FB2] =	sst s9;
	s0 =	simm.s32 @!p0 $0x0  }
0x12: {  	s1 =	sld [smem:$0x3F98];
	s0 =	simm.s32 @p0 $0x1  }
0x13: {  	[smem:$0x3FB3] =	sst s0;
	s0 =	simm.s32 @!p1 $0x0  }
0x14: {  	s2 =	sld [smem:$0x3F97];
	s0 =	simm.s32 @p1 $0x1  }
0x15: {  	[smem:$0x3FB4] =	sst s0;
	s0 =	simm.s32 @!p2 $0x0  }
0x16: {  	s3 =	sld [smem:$0x3FDB];
	s0 =	simm.s32 @p2 $0x1  }
0x17: {  	s4 =	simm.s32 $0x1BF5;
	[smem:$0x3FB6] =	sst s0  }
0x18: {  	s0 =	sld [smem:$0x3F99];
	_ =	swait.ge [sflag:s4], $0x0  }
0x19: {  	s7 =	sld [smem:$0x3F9A]  }
0x1a: {  	s8 =	sadd.s32 $0xFFFFE003, lr  }
0x1b: {  	s9 =	sadd.s32 $0xFFFFFEF7, lr;
	s5 =	simm.s32 $0xFFFFFFFF;
	p2 =	slt.u32 s8, $0xFFFFF086  }
0x1c: {  	p1 =	slt.u32 s9, $0xF7A;
	s5 =	simm.s32 @!p2 $0x0  }
0x1d: {  	s5 =	simm.s32 @p1 $0x1;
	p0 =	seq.s32 s7, s2  }
0x1e: {  	s7 =	smul.u32 @!p0 $0xF7A, s2;
	p2 =	seq.s32 @!p0 s5, $0x0  }
0x1f: {  	s9 =	smul.u32 $0xF7A, s1;
	s8 =	simm.s32 @!p0 $0x1BF5;
	p2 =	por !p2, p0  }
0x20: {  	[sflag:s8] =	ssyncset.s32 @!p0 $0xFFFFF086;
	s6 =	sadd.s32 @!p0 s3, s7;
	s7 =	simm.s32 @!p0 $0x108  }
0x21: {  	s3 =	sadd.s32 s3, s9;
	s6 =	sadd.s32 @!p0 $0x88, s6;
	s7 =	simm.s32 @p2 $0x1082  }
0x22: {  	[simem:s7], [sflag:s8] =	dma.local @!p0 [hbm:s6], $0xF7A  }
0x23: {  	s9 =	sor.u32 $0xD0000000, s2;
	s6 =	simm.s32 $0x108;
	_ =	swait.ge @!p0 [sflag:s8], $0x0  }
0x24: {  	s3 =	sadd.s32 $0x88, s3;
	s6 =	simm.s32 @!p1 $0x1082;
	[sflag:s4] =	ssyncset.s32 $0xFFFFF086  }
0x25: {  	[simem:s6], [sflag:s4] =	dma.local [hbm:s3], $0xF7A  }
0x26: {  	[smem:$0x3F9A] =	sst s1;
	(tag) =	ssettag s2;
	_ =	strace s9  }
0x27: {  	s1 =	sld [smem:$0x3FAA]  }
0x28: {  	s2 =	sld [smem:$0x3FAB]  }
0x29: {  	s4 =	sld [smem:$0x3FAD]  }
0x2a: {  	p0 =	seq.s32 s5, $0x0;
	s5 =	sld [smem:$0x3FAE]  }
0x2b: {  	s6 =	sld [smem:$0x3FAF]  }
0x2c: {  	s7 =	sld [smem:$0x3FB0]  }
0x2d: {  	s3 =	simm.s32 $0x108;
	s8 =	sld [smem:$0x3FB1]  }
0x2e: {  	s3 =	simm.s32 @!p0 $0x1082;
	s9 =	sld [smem:$0x3FB2]  }
0x2f: {  	lr =	sadd.s32 s0, s3;
	s0 =	sld [smem:$0x3FA9]  }
0x30: {  	s3 =	sld [smem:$0x3FAC]  }
0x31: {  	[smem:$0x3FB5] =	sst s10  }
0x32: {  	s10 =	sld [smem:$0x3FB3];
	_ =	sdelay $0x3  }
0x33: {  	p0 =	seq.s32 s10, $0x1;
	s10 =	sld [smem:$0x3FB5];
	_ =	sdelay $0x3  }
0x34: {  	[smem:$0x3FB5] =	sst s10  }
0x35: {  	s10 =	sld [smem:$0x3FB4];
	_ =	sdelay $0x3  }
0x36: {  	p1 =	seq.s32 s10, $0x1;
	s10 =	sld [smem:$0x3FB5];
	_ =	sdelay $0x3  }
0x37: {  	[smem:$0x3FB5] =	sst s10  }
0x38: {  	s10 =	sld [smem:$0x3FB6]  }
0x39: {  	_ = 	snop;
	(pc) =	sbr.ind lr, $3  }
0x3a: {  	_ = 	snop  }
0x3b: {  	_ = 	snop  }
0x3c: {  	p2 =	seq.s32 s10, $0x1;
	s10 =	sld [smem:$0x3FB5]  }
0x3d: {  	_ =	shalt  }
0x3e: {  	_ =	shalt  }
0x3f: {  	_ =	shalt  }
0x40: {  	_ =	shalt  }
0x41: {  	_ =	shalt  }
0x42: {  	_ =	shalt  }
0x43: {  	_ =	shalt  }
0x44: {  	_ =	shalt  }
0x45: {  	_ =	shalt  }
0x46: {  	_ =	shalt  }
0x47: {  	_ =	shalt  }
0x48: {  	_ =	shalt  }
0x49: {  	_ =	shalt  }
0x4a: {  	_ =	shalt  }
0x4b: {  	_ =	shalt  }
0x4c: {  	_ =	shalt  }
0x4d: {  	_ =	shalt  }
0x4e: {  	_ =	shalt  }
0x4f: {  	_ =	shalt  }
0x50: {  	_ =	shalt  }
0x51: {  	_ =	shalt  }
0x52: {  	_ =	shalt  }
0x53: {  	_ =	shalt  }
0x54: {  	_ =	shalt  }
0x55: {  	_ =	shalt  }
0x56: {  	_ =	shalt  }
0x57: {  	_ =	shalt  }
0x58: {  	_ =	shalt  }
0x59: {  	_ =	shalt  }
0x5a: {  	_ =	shalt  }
0x5b: {  	_ =	shalt  }
0x5c: {  	_ =	shalt  }
0x5d: {  	_ =	shalt  }
0x5e: {  	_ =	shalt  }
0x5f: {  	_ =	shalt  }
0x60: {  	_ =	shalt  }
0x61: {  	_ =	shalt  }
0x62: {  	_ =	shalt  }
0x63: {  	_ =	shalt  }
0x64: {  	_ =	shalt  }
0x65: {  	_ =	shalt  }
0x66: {  	_ =	shalt  }
0x67: {  	_ =	shalt  }
0x68: {  	_ =	shalt  }
0x69: {  	_ =	shalt  }
0x6a: {  	_ =	shalt  }
0x6b: {  	_ =	shalt  }
0x6c: {  	_ =	shalt  }
0x6d: {  	_ =	shalt  }
0x6e: {  	_ =	shalt  }
0x6f: {  	_ =	shalt  }
0x70: {  	_ =	shalt  }
0x71: {  	_ =	shalt  }
0x72: {  	_ =	shalt  }
0x73: {  	_ =	shalt  }
0x74: {  	_ =	shalt  }
0x75: {  	_ =	shalt  }
0x76: {  	_ =	shalt  }
0x77: {  	_ =	shalt  }
0x78: {  	_ =	shalt  }
0x79: {  	_ =	shalt  }
0x7a: {  	_ =	shalt  }
0x7b: {  	_ =	shalt  }
0x7c: {  	_ =	shalt  }
0x7d: {  	_ =	shalt  }
0x7e: {  	_ =	shalt  }
0x7f: {  	_ =	shalt  }
0x80: {  	_ =	shalt  }
0x81: {  	_ =	shalt  }
0x82: {  	_ =	shalt  }
0x83: {  	_ =	shalt  }
0x84: {  	_ =	shalt  }
0x85: {  	_ =	shalt  }
0x86: {  	_ =	shalt  }
0x87: {  	_ =	shalt  }
.Lfunc_end0:
.L_simem_size_0:
called_computation_lowered:
.L_overlay_start_0:
0x88: {  	s2 =	sld [smem:$0x3FD9]  }
0x89: {  	s3 =	sld [smem:$0x3FFE];
	_ =	sdelay $0x1  }
0x8a: {  	s1 =	srdreg.scid  }
0x8b: {  	s0 =	sand.u32 $0x1, s1  }
0x8c: {  	s15 =	sshll.u32 s0, $0xA;
	s2 =	sadd.s32 s3, s2  }
0x8d: {  	s2 =	sadd.s32 s2, s15  }
0x8e: {  	[smem:$0x3FC1] =	sst s2  }
0x8f: {  	_ = 	snop  }
0x90: {  	s2 =	sld [smem:$0x3FD0];
	_ =	sdelay $0x2  }
0x91: {  	s16 =	simm.s32 $0xB;
	s4 =	simm.s32 $0x10  }
0x92: {  	[smem:s4], [sflag:s16] =	dma.local [hbm:s2], $0x1  }
0x93: {  	_ =	swait.eq [sflag:s16], $0x1  }
0x94: {  	[sflag:s16] =	ssyncset.done $0x0  }
0x95: {  	[sflag:s16] =	ssyncadd.s32 $0xFFFFFFFF  }
0x96: {  	s17 =	sld [smem:$0x10];
	(tm) =	ssettm $0x1  }
0x97: {  	s18 =	sld [smem:$0x3FFB];
	_ =	sdelay $0x3  }
0x98: {  	_ =	strace s18  }
0x99: {  	s2 =	sld [smem:$0x3FFC];
	_ =	sdelay $0x3  }
0x9a: {  	_ =	strace s2  }
0x9b: {  	s2 =	sld [smem:$0x3FFD];
	_ =	sdelay $0x3  }
0x9c: {  	_ =	strace s2  }
0x9d: {  	_ =	strace $0x8FFFFFFF  }
0x9e: {  	s19 =	sld [smem:$0x3FDB];
	_ =	sdelay $0x1  }
0x9f: {  	s20 =	simm.s32 $_scs_section_size  }
0xa0: {  	s5 =	simm.s32 $_size__tile_overlayer_lowered;
	s6 =	simm.s32 $_tile_overlayer_lowered  }
0xa1: {  	s7 =	simm.s32 $0x1BFF;
	s21 =	sshll.u32 s6, $0x1;
	s4 =	sadd.s32 s20, s19  }
0xa2: {  	s22 =	simm.s32 $0x0;
	s5 =	sshll.u32 s5, $0x1;
	s6 =	sadd.s32 s21, s4  }
0xa3: {  	[timem:s22], [sflag:s7] =	dma.local [hbm:s6], s5  }
0xa4: {  	_ =	swait.ge [sflag:s7], s5  }
0xa5: {  	s5 =	ssub.s32 $0x0, s5;
	[sflag:s7] =	ssyncset.done $0x0  }
0xa6: {  	[sflag:s7] =	ssyncadd.s32 s5;
	_ =	sdelay $0x1  }
0xa7: {  	s23 =	simm.s32 $0x1B8B  }
0xa8: {  	_ =	swait.ge [sflag:s23], $0x1  }
0xa9: {  	[sflag:s23] =	ssyncset.done $0x0  }
0xaa: {  	[sflag:s23] =	ssyncadd.s32 $0xFFFFFFFF  }
0xab: {  	s5 =	sld [smem:$0x0]  }
0xac: {  	s6 =	sand.u32 $0xFFFFFFFE, s1  }
0xad: {  	p0 =	sne.s32 s1, s6  }
0xae: {  	s6 =	sshll.u32 @p0 s6, $0xE  }
0xaf: {  	s6 =	sadd.s32 @p0 $0x11B8D, s6;
	s7 =	sshll.u32 @p0 s5, $0x11  }
0xb0: {  	s6 =	sor.u32 @p0 s7, s6  }
0xb1: {  	[sflag:s6] =	ssyncadd.remote.s32 @p0 $0x1;
	_ =	sdelay $0x1  }
0xb2: {  	s6 =	simm.s32 @p0 $0x1B8D  }
0xb3: {  	_ =	swait.eq @p0 [sflag:s6], $0x1  }
0xb4: {  	[sflag:s6] =	ssyncadd.s32 @p0 $0xFFFFFFFF  }
0xb5: {  	s7 =	sshll.u32 @!p0 s1, $0xE  }
0xb6: {  	s7 =	sor.u32 @!p0 $0x4000, s7;
	s6 =	simm.s32 @!p0 $0x1B8D  }
0xb7: {  	s5 =	sshll.u32 @!p0 s5, $0x11;
	s7 =	sadd.s32 @!p0 $0x11B8D, s7;
	_ =	swait.eq @!p0 [sflag:s6], $0x1  }
0xb8: {  	s5 =	sor.u32 @!p0 s5, s7;
	[sflag:s6] =	ssyncadd.s32 @!p0 $0xFFFFFFFF  }
0xb9: {  	s25 =	simm.s32 $0x1B8E;
	s24 =	sld [smem:$0x3FFE];
	[sflag:s5] =	ssyncadd.remote.s32 @!p0 $0x1  }
0xba: {  	s26 =	simm.s32 $execute0_lowered;
	[smem:$0x3FD2] =	sst s25  }
0xbb: {  	s6 =	sshll.u32 s26, $0x1;
	_ =	strace $0x80000049;
	[dreg:$0x1] =	wrdreg $0xFFFFFFFF  }
0xbc: {  	s28 =	simm.s32 $_size_execute0_lowered;
	s4 =	sadd.s32 s4, s6;
	[dreg:$0x0] =	wrdreg $0x0  }
0xbd: {  	s6 =	sshll.u32 s28, $0x1;
	[dreg:$0x2] =	wrdreg s4  }
0xbe: {  	[dreg:$0x3] =	wrdreg s6  }
0xbf: {  	[dreg:$0x4] =	wrdreg $0xC0  }
0xc0: {  	_ =	task [dreg:s22], $0x5FFFF  }
0xc1: {  	[dreg:$0x1] =	wrdreg $0xFFFFFFFF  }
0xc2: {  	[dreg:$0x0] =	wrdreg $0x60  }
0xc3: {  	[dreg:$0x2] =	wrdreg s24  }
0xc4: {  	[dreg:$0x3] =	wrdreg s17  }
0xc5: {  	[dreg:$0x4] =	wrdreg $0x9  }
0xc6: {  	_ =	task.clear_ibuf [dreg:s22], $0x5FFFF;
	_ =	strace $0x90000049  }
0xc7: {  	s29 =	simm.s32 $0x9;
	_ =	strace $0x8000004B  }
0xc8: {  	_ =	swait.ge [sflag:s29], $0x1  }
0xc9: {  	[sflag:s29] =	ssyncadd.s32 $0xFFFFFFFF  }
0xca: {  	_ =	strace $0x9000004B  }
0xcb: {  	_ =	sfence  }
0xcc: {  	s30 =	sld [smem:$0x0];
	_ =	sdelay $0x2  }
0xcd: {  	s31 =	sshll.u32 s1, $0xD;
	s1 =	sshrl.u32 s1, $0x2  }
0xce: {  	s4 =	sand.u32 $0x4000, s31;
	s1 =	sadd.s32 s1, s30  }
0xcf: {  	s0 =	sor.u32 s4, s0;
	s1 =	sshll.u32 s1, $0x11  }
0xd0: {  	s0 =	sor.u32 s1, s0  }
0xd1: {  	s0 =	sadd.s32 $0x8F2B, s0  }
0xd2: {  	[sflag:s0] =	ssyncadd.remote.s32 $0x1  }
0xd3: {  	_ =	sfence.sel $0xFFFF  }
0xd4: {  	[dreg:$0x0] =	wrdreg $0xFFFFFFFF;
	(pc) =	sbr.abs _section_cstart, $3  }
0xd5: {  	[dreg:$0x1] =	wrdreg $0xFFFFFFFF  }
0xd6: {  	_ =	task.clear_ibuf [dreg:s22], $0x2FFFF;
	_ =	strace $0x9FFFFFFF  }
0xd7: {  	(tm) =	ssettm $0x7FFFFFFF  }
tec
execute0_lowered:
.L_overlay_start_1:
0x0: {  	(tag) =	ssettag $0x1  }
0x1: {  	s0 =	srdreg.scid;
	s1 =	stileid.u32  }
0x2: {  	s4 =	rddreg [dreg:$0x0];
	s31 =	sand.u32 $0x1, s0;
	s23 =	sshll.u32 s1, $0x1  }
0x3: {  	s30 =	rddreg [dreg:$0x1];
	s2 =	simm.s32 $0x0;
	s3 =	sor.u32 s31, s23  }
0x4: {  	[smem:$0x7FF] =	sst s2;
	s1 =	sadd.s32 $0x103200, s4;
	s0 =	sshll.u32 s3, $0x6  }
0x5: {  	_ =	strace $0x8000004A;
	s25 =	sshll.u32 s3, $0xA;
	s5 =	sadd.s32 s0, s4  }
0x6: {  	s0 =	sshll.u32 s3, $0xD;
	s26 =	sadd.s32 s30, s25;
	s3 =	sshll.u32 s3, $0x11  }
0x7: {  	s6 =	sadd.s32 s0, s4;
	s5 =	sadd.s32 $0x2DCB600, s5;
	[dreg:$0x5] =	wrdreg s26  }
0x8: {  	s3 =	sadd.s32 s1, s3;
	s8 =	sor.u32 $0x400, s0;
	[dreg:$0x3] =	wrdreg s5  }
0x9: {  	s14 =	sor.u32 $0x600, s0;
	s24 =	sadd.s32 $0xC3200, s6;
	[dreg:$0x6] =	wrdreg s3  }
0xa: {  	s6 =	sor.u32 $0x200, s0;
	s10 =	sshrl.u32 s8, $0x3;
	[dreg:$0x4] =	wrdreg s24  }
0xb: {  	s12 =	sshll.u32 s8, $0x4;
	s11 =	sadd.s32 s30, s10;
	s16 =	rddreg [dreg:$0x3]  }
0xc: {  	s7 =	sshrl.u32 s6, $0x3;
	s13 =	sadd.s32 s1, s12;
	[dreg:$0x9] =	wrdreg s11  }
0xd: {  	s5 =	sshll.u32 s6, $0x4;
	s3 =	sadd.s32 s30, s7;
	[dreg:$0xa] =	wrdreg s13  }
0xe: {  	[tilespmem:s2], [sflag:$0x2] =	stream.linear.gather [hbm4b:s16+s2], $0x200, $0x38;
	[tilespmem:$0x10200] =	vst v63  }
0xf: {  	s15 =	sshrl.u32 s14, $0x3;
	s9 =	sadd.s32 s1, s5;
	[dreg:$0x7] =	wrdreg s3  }
0x10: {  	s5 =	sshll.u32 s14, $0x4;
	[dreg:$0x8] =	wrdreg s9;
	s3 =	sadd.s32 s30, s15  }
0x11: {  	s17 =	sadd.s32 s1, s5;
	[dreg:$0xb] =	wrdreg s3  }
0x12: {  	[dreg:$0xc] =	wrdreg s17;
	s3 =	simm.s32 $0x2  }
0x13: {  	_ =	swait.ge [sflag:s3], $0x200  }
0x14: {  	s4 =	sadd.s32 $0x1005600, s4;
	[sflag:s3] =	ssyncset.done $0x0  }
0x15: {  	s6 =	simm.s32 $0x1;
	s5 =	simm.s32 $0x200;
	[sflag:s3] =	ssyncadd.s32 $0xFFFFFE00  }
0x16: {  	[tilespmem:s5], [sflag:$0x1] =	stream.indirect.gather [hbm4b:s4+s5], $0x80, s2, s5, $0xb8;
	[tilespmem:$0x10200] =	vst v63  }
0x17: {  	_ =	swait.ge [sflag:s6], $0x10000  }
0x18: {  	[sflag:s6] =	ssyncset.done $0x0  }
0x19: {  	s7 =	rddreg [dreg:$0x4];
	[sflag:s6] =	ssyncadd.s32 $0xFFFF0000  }
0x1a: {  	[hbm4b:s7+s2] =	stream.linear.scatter [tilespmem:s5], [sflag:$0x2], $0x10000, $0x38;
	[tilespmem:$0x10200] =	vst v63  }
0x1b: {  	_ =	swait.ge [sflag:s3], $0x10000  }
0x1c: {  	[sflag:s3] =	ssyncset.done $0x0  }
0x1d: {  	s18 =	rddreg [dreg:$0x5];
	[sflag:s3] =	ssyncadd.s32 $0xFFFF0000  }
0x1e: {  	[tilespmem:s2], [sflag:$0x2] =	stream.linear.gather [hbm4b:s18+s2], $0x200, $0x38;
	[tilespmem:$0x10200] =	vst v63  }
0x1f: {  	_ =	swait.ge [sflag:s3], $0x200  }
0x20: {  	[sflag:s3] =	ssyncset.done $0x0  }
0x21: {  	[sflag:s3] =	ssyncadd.s32 $0xFFFFFE00  }
0x22: {  	[tilespmem:s5], [sflag:$0x1] =	stream.indirect.gather [hbm4b:s4+s5], $0x80, s2, s5, $0xb8;
	[tilespmem:$0x10200] =	vst v63  }
0x23: {  	_ =	swait.ge [sflag:s6], $0x10000  }
0x24: {  	[sflag:s6] =	ssyncset.done $0x0  }
0x25: {  	s19 =	rddreg [dreg:$0x6];
	[sflag:s6] =	ssyncadd.s32 $0xFFFF0000  }
0x26: {  	[hbm4b:s19+s2] =	stream.linear.scatter [tilespmem:s5], [sflag:$0x2], $0x10000, $0x38;
	[tilespmem:$0x10200] =	vst v63  }
0x27: {  	_ =	swait.ge [sflag:s3], $0x10000  }
0x28: {  	[sflag:s3] =	ssyncset.done $0x0  }
0x29: {  	s20 =	rddreg [dreg:$0x7];
	[sflag:s3] =	ssyncadd.s32 $0xFFFF0000  }
0x2a: {  	[tilespmem:s2], [sflag:$0x2] =	stream.linear.gather [hbm4b:s20+s2], $0x200, $0x38;
	[tilespmem:$0x10200] =	vst v63  }
0x2b: {  	_ =	swait.ge [sflag:s3], $0x200  }
0x2c: {  	[sflag:s3] =	ssyncset.done $0x0  }
0x2d: {  	[sflag:s3] =	ssyncadd.s32 $0xFFFFFE00  }
0x2e: {  	[tilespmem:s5], [sflag:$0x1] =	stream.indirect.gather [hbm4b:s4+s5], $0x80, s2, s5, $0xb8;
	[tilespmem:$0x10200] =	vst v63  }
0x2f: {  	_ =	swait.ge [sflag:s6], $0x10000  }
0x30: {  	[sflag:s6] =	ssyncset.done $0x0  }
0x31: {  	s21 =	rddreg [dreg:$0x8];
	[sflag:s6] =	ssyncadd.s32 $0xFFFF0000  }
0x32: {  	[hbm4b:s21+s2] =	stream.linear.scatter [tilespmem:s5], [sflag:$0x2], $0x10000, $0x38;
	[tilespmem:$0x10200] =	vst v63  }
0x33: {  	_ =	swait.ge [sflag:s3], $0x10000  }
0x34: {  	[sflag:s3] =	ssyncset.done $0x0  }
0x35: {  	s22 =	rddreg [dreg:$0x9];
	[sflag:s3] =	ssyncadd.s32 $0xFFFF0000  }
0x36: {  	[tilespmem:s2], [sflag:$0x2] =	stream.linear.gather [hbm4b:s22+s2], $0x200, $0x38;
	[tilespmem:$0x10200] =	vst v63  }
0x37: {  	_ =	swait.ge [sflag:s3], $0x200  }
0x38: {  	[sflag:s3] =	ssyncset.done $0x0  }
0x39: {  	[sflag:s3] =	ssyncadd.s32 $0xFFFFFE00  }
0x3a: {  	[tilespmem:s5], [sflag:$0x1] =	stream.indirect.gather [hbm4b:s4+s5], $0x80, s2, s5, $0xb8;
	[tilespmem:$0x10200] =	vst v63  }
0x3b: {  	_ =	swait.ge [sflag:s6], $0x10000  }
0x3c: {  	[sflag:s6] =	ssyncset.done $0x0  }
0x3d: {  	s23 =	rddreg [dreg:$0xa];
	[sflag:s6] =	ssyncadd.s32 $0xFFFF0000  }
0x3e: {  	[hbm4b:s23+s2] =	stream.linear.scatter [tilespmem:s5], [sflag:$0x2], $0x10000, $0x38;
	[tilespmem:$0x10200] =	vst v63  }
0x3f: {  	_ =	swait.ge [sflag:s3], $0x10000  }
0x40: {  	[sflag:s3] =	ssyncset.done $0x0  }
0x41: {  	s24 =	rddreg [dreg:$0xb];
	[sflag:s3] =	ssyncadd.s32 $0xFFFF0000  }
0x42: {  	[tilespmem:s2], [sflag:$0x2] =	stream.linear.gather [hbm4b:s24+s2], $0x200, $0x38;
	[tilespmem:$0x10200] =	vst v63  }
0x43: {  	_ =	swait.ge [sflag:s3], $0x200  }
0x44: {  	[sflag:s3] =	ssyncset.done $0x0  }
0x45: {  	[sflag:s3] =	ssyncadd.s32 $0xFFFFFE00  }
0x46: {  	[tilespmem:s5], [sflag:$0x1] =	stream.indirect.gather [hbm4b:s4+s5], $0x80, s2, s5, $0xb8;
	[tilespmem:$0x10200] =	vst v63  }
0x47: {  	_ =	swait.ge [sflag:s6], $0x10000  }
0x48: {  	[sflag:s6] =	ssyncset.done $0x0  }
0x49: {  	s25 =	rddreg [dreg:$0xc];
	[sflag:s6] =	ssyncadd.s32 $0xFFFF0000  }
0x4a: {  	[hbm4b:s25+s2] =	stream.linear.scatter [tilespmem:s5], [sflag:$0x2], $0x10000, $0x38;
	[tilespmem:$0x10200] =	vst v63  }
0x4b: {  	s8 =	sor.u32 $0x800, s0;
	_ =	swait.ge [sflag:s3], $0x10000  }
0x4c: {  	s26 =	sshrl.u32 s8, $0x3;
	[sflag:s3] =	ssyncset.done $0x0  }
0x4d: {  	s7 =	sadd.s32 s30, s26;
	[sflag:s3] =	ssyncadd.s32 $0xFFFF0000  }
0x4e: {  	[tilespmem:s2], [sflag:$0x2] =	stream.linear.gather [hbm4b:s7+s2], $0x200, $0x38;
	[tilespmem:$0x10200] =	vst v63  }
0x4f: {  	_ =	swait.ge [sflag:s3], $0x200  }
0x50: {  	[sflag:s3] =	ssyncset.done $0x0  }
0x51: {  	[sflag:s3] =	ssyncadd.s32 $0xFFFFFE00  }
0x52: {  	[tilespmem:s5], [sflag:$0x1] =	stream.indirect.gather [hbm4b:s4+s5], $0x80, s2, s5, $0xb8;
	[tilespmem:$0x10200] =	vst v63  }
0x53: {  	_ =	swait.ge [sflag:s6], $0x10000  }
0x54: {  	s8 =	sshll.u32 s8, $0x4;
	[sflag:s6] =	ssyncset.done $0x0  }
0x55: {  	s8 =	sadd.s32 s1, s8;
	[sflag:s6] =	ssyncadd.s32 $0xFFFF0000  }
0x56: {  	[hbm4b:s8+s2] =	stream.linear.scatter [tilespmem:s5], [sflag:$0x2], $0x10000, $0x38;
	[tilespmem:$0x10200] =	vst v63  }
0x57: {  	s10 =	sor.u32 $0xA00, s0;
	_ =	swait.ge [sflag:s3], $0x10000  }
0x58: {  	s9 =	sshrl.u32 s10, $0x3;
	[sflag:s3] =	ssyncset.done $0x0  }
0x59: {  	s9 =	sadd.s32 s30, s9;
	[sflag:s3] =	ssyncadd.s32 $0xFFFF0000  }
0x5a: {  	[tilespmem:s2], [sflag:$0x2] =	stream.linear.gather [hbm4b:s9+s2], $0x200, $0x38;
	[tilespmem:$0x10200] =	vst v63  }
0x5b: {  	_ =	swait.ge [sflag:s3], $0x200  }
0x5c: {  	[sflag:s3] =	ssyncset.done $0x0  }
0x5d: {  	[sflag:s3] =	ssyncadd.s32 $0xFFFFFE00  }
0x5e: {  	[tilespmem:s5], [sflag:$0x1] =	stream.indirect.gather [hbm4b:s4+s5], $0x80, s2, s5, $0xb8;
	[tilespmem:$0x10200] =	vst v63  }
0x5f: {  	_ =	swait.ge [sflag:s6], $0x10000  }
0x60: {  	s10 =	sshll.u32 s10, $0x4;
	[sflag:s6] =	ssyncset.done $0x0  }
0x61: {  	s10 =	sadd.s32 s1, s10;
	[sflag:s6] =	ssyncadd.s32 $0xFFFF0000  }
0x62: {  	[hbm4b:s10+s2] =	stream.linear.scatter [tilespmem:s5], [sflag:$0x2], $0x10000, $0x38;
	[tilespmem:$0x10200] =	vst v63  }
0x63: {  	s12 =	sor.u32 $0xC00, s0;
	_ =	swait.ge [sflag:s3], $0x10000  }
0x64: {  	s11 =	sshrl.u32 s12, $0x3;
	[sflag:s3] =	ssyncset.done $0x0  }
0x65: {  	s11 =	sadd.s32 s30, s11;
	[sflag:s3] =	ssyncadd.s32 $0xFFFF0000  }
0x66: {  	[tilespmem:s2], [sflag:$0x2] =	stream.linear.gather [hbm4b:s11+s2], $0x200, $0x38;
	[tilespmem:$0x10200] =	vst v63  }
0x67: {  	_ =	swait.ge [sflag:s3], $0x200  }
0x68: {  	[sflag:s3] =	ssyncset.done $0x0  }
0x69: {  	[sflag:s3] =	ssyncadd.s32 $0xFFFFFE00  }
0x6a: {  	[tilespmem:s5], [sflag:$0x1] =	stream.indirect.gather [hbm4b:s4+s5], $0x80, s2, s5, $0xb8;
	[tilespmem:$0x10200] =	vst v63  }
0x6b: {  	_ =	swait.ge [sflag:s6], $0x10000  }
0x6c: {  	s12 =	sshll.u32 s12, $0x4;
	[sflag:s6] =	ssyncset.done $0x0  }
0x6d: {  	s12 =	sadd.s32 s1, s12;
	[sflag:s6] =	ssyncadd.s32 $0xFFFF0000  }
0x6e: {  	[hbm4b:s12+s2] =	stream.linear.scatter [tilespmem:s5], [sflag:$0x2], $0x10000, $0x38;
	[tilespmem:$0x10200] =	vst v63  }
0x6f: {  	s14 =	sor.u32 $0xE00, s0;
	_ =	swait.ge [sflag:s3], $0x10000  }
0x70: {  	s13 =	sshrl.u32 s14, $0x3;
	[sflag:s3] =	ssyncset.done $0x0  }
0x71: {  	s13 =	sadd.s32 s30, s13;
	[sflag:s3] =	ssyncadd.s32 $0xFFFF0000  }
0x72: {  	[tilespmem:s2], [sflag:$0x2] =	stream.linear.gather [hbm4b:s13+s2], $0x200, $0x38;
	[tilespmem:$0x10200] =	vst v63  }
0x73: {  	_ =	swait.ge [sflag:s3], $0x200  }
0x74: {  	[sflag:s3] =	ssyncset.done $0x0  }
0x75: {  	[sflag:s3] =	ssyncadd.s32 $0xFFFFFE00  }
0x76: {  	[tilespmem:s5], [sflag:$0x1] =	stream.indirect.gather [hbm4b:s4+s5], $0x80, s2, s5, $0xb8;
	[tilespmem:$0x10200] =	vst v63  }
0x77: {  	_ =	swait.ge [sflag:s6], $0x10000  }
0x78: {  	s14 =	sshll.u32 s14, $0x4;
	[sflag:s6] =	ssyncset.done $0x0  }
0x79: {  	s14 =	sadd.s32 s1, s14;
	[sflag:s6] =	ssyncadd.s32 $0xFFFF0000  }
0x7a: {  	[hbm4b:s14+s2] =	stream.linear.scatter [tilespmem:s5], [sflag:$0x2], $0x10000, $0x38;
	[tilespmem:$0x10200] =	vst v63  }
0x7b: {  	s16 =	sor.u32 $0x1000, s0;
	_ =	swait.ge [sflag:s3], $0x10000  }
0x7c: {  	s15 =	sshrl.u32 s16, $0x3;
	[sflag:s3] =	ssyncset.done $0x0  }
0x7d: {  	s15 =	sadd.s32 s30, s15;
	[sflag:s3] =	ssyncadd.s32 $0xFFFF0000  }
0x7e: {  	[tilespmem:s2], [sflag:$0x2] =	stream.linear.gather [hbm4b:s15+s2], $0x200, $0x38;
	[tilespmem:$0x10200] =	vst v63  }
0x7f: {  	_ =	swait.ge [sflag:s3], $0x200  }
0x80: {  	[sflag:s3] =	ssyncset.done $0x0  }
0x81: {  	[sflag:s3] =	ssyncadd.s32 $0xFFFFFE00  }
0x82: {  	[tilespmem:s5], [sflag:$0x1] =	stream.indirect.gather [hbm4b:s4+s5], $0x80, s2, s5, $0xb8;
	[tilespmem:$0x10200] =	vst v63  }
0x83: {  	_ =	swait.ge [sflag:s6], $0x10000  }
0x84: {  	s16 =	sshll.u32 s16, $0x4;
	[sflag:s6] =	ssyncset.done $0x0  }
0x85: {  	s16 =	sadd.s32 s1, s16;
	[sflag:s6] =	ssyncadd.s32 $0xFFFF0000  }
0x86: {  	[hbm4b:s16+s2] =	stream.linear.scatter [tilespmem:s5], [sflag:$0x2], $0x10000, $0x38;
	[tilespmem:$0x10200] =	vst v63  }
0x87: {  	s18 =	sor.u32 $0x1200, s0;
	_ =	swait.ge [sflag:s3], $0x10000  }
0x88: {  	s17 =	sshrl.u32 s18, $0x3;
	[sflag:s3] =	ssyncset.done $0x0  }
0x89: {  	s17 =	sadd.s32 s30, s17;
	[sflag:s3] =	ssyncadd.s32 $0xFFFF0000  }
0x8a: {  	[tilespmem:s2], [sflag:$0x2] =	stream.linear.gather [hbm4b:s17+s2], $0x200, $0x38;
	[tilespmem:$0x10200] =	vst v63  }
0x8b: {  	_ =	swait.ge [sflag:s3], $0x200  }
0x8c: {  	[sflag:s3] =	ssyncset.done $0x0  }
0x8d: {  	[sflag:s3] =	ssyncadd.s32 $0xFFFFFE00  }
0x8e: {  	[tilespmem:s5], [sflag:$0x1] =	stream.indirect.gather [hbm4b:s4+s5], $0x80, s2, s5, $0xb8;
	[tilespmem:$0x10200] =	vst v63  }
0x8f: {  	_ =	swait.ge [sflag:s6], $0x10000  }
0x90: {  	s18 =	sshll.u32 s18, $0x4;
	[sflag:s6] =	ssyncset.done $0x0  }
0x91: {  	s18 =	sadd.s32 s1, s18;
	[sflag:s6] =	ssyncadd.s32 $0xFFFF0000  }
0x92: {  	[hbm4b:s18+s2] =	stream.linear.scatter [tilespmem:s5], [sflag:$0x2], $0x10000, $0x38;
	[tilespmem:$0x10200] =	vst v63  }
0x93: {  	s20 =	sor.u32 $0x1400, s0;
	_ =	swait.ge [sflag:s3], $0x10000  }
0x94: {  	s19 =	sshrl.u32 s20, $0x3;
	[sflag:s3] =	ssyncset.done $0x0  }
0x95: {  	s19 =	sadd.s32 s30, s19;
	[sflag:s3] =	ssyncadd.s32 $0xFFFF0000  }
0x96: {  	[tilespmem:s2], [sflag:$0x2] =	stream.linear.gather [hbm4b:s19+s2], $0x200, $0x38;
	[tilespmem:$0x10200] =	vst v63  }
0x97: {  	_ =	swait.ge [sflag:s3], $0x200  }
0x98: {  	[sflag:s3] =	ssyncset.done $0x0  }
0x99: {  	[sflag:s3] =	ssyncadd.s32 $0xFFFFFE00  }
0x9a: {  	[tilespmem:s5], [sflag:$0x1] =	stream.indirect.gather [hbm4b:s4+s5], $0x80, s2, s5, $0xb8;
	[tilespmem:$0x10200] =	vst v63  }
0x9b: {  	_ =	swait.ge [sflag:s6], $0x10000  }
0x9c: {  	s20 =	sshll.u32 s20, $0x4;
	[sflag:s6] =	ssyncset.done $0x0  }
0x9d: {  	s20 =	sadd.s32 s1, s20;
	[sflag:s6] =	ssyncadd.s32 $0xFFFF0000  }
0x9e: {  	[hbm4b:s20+s2] =	stream.linear.scatter [tilespmem:s5], [sflag:$0x2], $0x10000, $0x38;
	[tilespmem:$0x10200] =	vst v63  }
0x9f: {  	s22 =	sor.u32 $0x1600, s0;
	_ =	swait.ge [sflag:s3], $0x10000  }
0xa0: {  	s21 =	sshrl.u32 s22, $0x3;
	[sflag:s3] =	ssyncset.done $0x0  }
0xa1: {  	s21 =	sadd.s32 s30, s21;
	[sflag:s3] =	ssyncadd.s32 $0xFFFF0000  }
0xa2: {  	[tilespmem:s2], [sflag:$0x2] =	stream.linear.gather [hbm4b:s21+s2], $0x200, $0x38;
	[tilespmem:$0x10200] =	vst v63  }
0xa3: {  	_ =	swait.ge [sflag:s3], $0x200  }
0xa4: {  	[sflag:s3] =	ssyncset.done $0x0  }
0xa5: {  	[sflag:s3] =	ssyncadd.s32 $0xFFFFFE00  }
0xa6: {  	[tilespmem:s5], [sflag:$0x1] =	stream.indirect.gather [hbm4b:s4+s5], $0x80, s2, s5, $0xb8;
	[tilespmem:$0x10200] =	vst v63  }
0xa7: {  	_ =	swait.ge [sflag:s6], $0x10000  }
0xa8: {  	s22 =	sshll.u32 s22, $0x4;
	[sflag:s6] =	ssyncset.done $0x0  }
0xa9: {  	s22 =	sadd.s32 s1, s22;
	[sflag:s6] =	ssyncadd.s32 $0xFFFF0000  }
0xaa: {  	[hbm4b:s22+s2] =	stream.linear.scatter [tilespmem:s5], [sflag:$0x2], $0x10000, $0x38;
	[tilespmem:$0x10200] =	vst v63  }
0xab: {  	s24 =	sor.u32 $0x1800, s0;
	_ =	swait.ge [sflag:s3], $0x10000  }
0xac: {  	s23 =	sshrl.u32 s24, $0x3;
	[sflag:s3] =	ssyncset.done $0x0  }
0xad: {  	s23 =	sadd.s32 s30, s23;
	[sflag:s3] =	ssyncadd.s32 $0xFFFF0000  }
0xae: {  	[tilespmem:s2], [sflag:$0x2] =	stream.linear.gather [hbm4b:s23+s2], $0x200, $0x38;
	[tilespmem:$0x10200] =	vst v63  }
0xaf: {  	_ =	swait.ge [sflag:s3], $0x200  }
0xb0: {  	[sflag:s3] =	ssyncset.done $0x0  }
0xb1: {  	[sflag:s3] =	ssyncadd.s32 $0xFFFFFE00  }
0xb2: {  	[tilespmem:s5], [sflag:$0x1] =	stream.indirect.gather [hbm4b:s4+s5], $0x80, s2, s5, $0xb8;
	[tilespmem:$0x10200] =	vst v63  }
0xb3: {  	_ =	swait.ge [sflag:s6], $0x10000  }
0xb4: {  	s24 =	sshll.u32 s24, $0x4;
	[sflag:s6] =	ssyncset.done $0x0  }
0xb5: {  	s24 =	sadd.s32 s1, s24;
	[sflag:s6] =	ssyncadd.s32 $0xFFFF0000  }
0xb6: {  	[hbm4b:s24+s2] =	stream.linear.scatter [tilespmem:s5], [sflag:$0x2], $0x10000, $0x38;
	[tilespmem:$0x10200] =	vst v63  }
0xb7: {  	s26 =	sor.u32 $0x1A00, s0;
	_ =	swait.ge [sflag:s3], $0x10000  }
0xb8: {  	s25 =	sshrl.u32 s26, $0x3;
	[sflag:s3] =	ssyncset.done $0x0  }
0xb9: {  	s25 =	sadd.s32 s30, s25;
	[sflag:s3] =	ssyncadd.s32 $0xFFFF0000  }
0xba: {  	[tilespmem:s2], [sflag:$0x2] =	stream.linear.gather [hbm4b:s25+s2], $0x200, $0x38;
	[tilespmem:$0x10200] =	vst v63  }
0xbb: {  	_ =	swait.ge [sflag:s3], $0x200  }
0xbc: {  	[sflag:s3] =	ssyncset.done $0x0  }
0xbd: {  	[sflag:s3] =	ssyncadd.s32 $0xFFFFFE00  }
0xbe: {  	[tilespmem:s5], [sflag:$0x1] =	stream.indirect.gather [hbm4b:s4+s5], $0x80, s2, s5, $0xb8;
	[tilespmem:$0x10200] =	vst v63  }
0xbf: {  	_ =	swait.ge [sflag:s6], $0x10000  }
0xc0: {  	s26 =	sshll.u32 s26, $0x4;
	[sflag:s6] =	ssyncset.done $0x0  }
0xc1: {  	s26 =	sadd.s32 s1, s26;
	[dreg:$0xd] =	wrdreg s1;
	[sflag:s6] =	ssyncadd.s32 $0xFFFF0000  }
0xc2: {  	[hbm4b:s26+s2] =	stream.linear.scatter [tilespmem:s5], [sflag:$0x2], $0x10000, $0x38;
	[tilespmem:$0x10200] =	vst v63  }
0xc3: {  	s29 =	sor.u32 $0x1C00, s0;
	_ =	swait.ge [sflag:s3], $0x10000  }
0xc4: {  	s28 =	sshrl.u32 s29, $0x3;
	[sflag:s3] =	ssyncset.done $0x0  }
0xc5: {  	s28 =	sadd.s32 s30, s28;
	[sflag:s3] =	ssyncadd.s32 $0xFFFF0000  }
0xc6: {  	[tilespmem:s2], [sflag:$0x2] =	stream.linear.gather [hbm4b:s28+s2], $0x200, $0x38;
	[tilespmem:$0x10200] =	vst v63  }
0xc7: {  	_ =	swait.ge [sflag:s3], $0x200  }
0xc8: {  	[sflag:s3] =	ssyncset.done $0x0  }
0xc9: {  	[sflag:s3] =	ssyncadd.s32 $0xFFFFFE00  }
0xca: {  	[tilespmem:s5], [sflag:$0x1] =	stream.indirect.gather [hbm4b:s4+s5], $0x80, s2, s5, $0xb8;
	[tilespmem:$0x10200] =	vst v63  }
0xcb: {  	_ =	swait.ge [sflag:s6], $0x10000  }
0xcc: {  	s29 =	sshll.u32 s29, $0x4;
	[sflag:s6] =	ssyncset.done $0x0  }
0xcd: {  	s29 =	sadd.s32 s1, s29;
	s0 =	sor.u32 $0x1E00, s0;
	[sflag:s6] =	ssyncadd.s32 $0xFFFF0000  }
0xce: {  	[hbm4b:s29+s2] =	stream.linear.scatter [tilespmem:s5], [sflag:$0x2], $0x10000, $0x38;
	[tilespmem:$0x10200] =	vst v63  }
0xcf: {  	s1 =	sshrl.u32 s0, $0x3;
	_ =	swait.ge [sflag:s3], $0x10000  }
0xd0: {  	s30 =	sadd.s32 s30, s1;
	s1 =	ssub.s32 $0x2, s31;
	[sflag:s3] =	ssyncset.done $0x0  }
0xd1: {  	s31 =	sshrl.u32 s1, $0x1;
	[sflag:s3] =	ssyncadd.s32 $0xFFFF0000  }
0xd2: {  	[tilespmem:s2], [sflag:$0x2] =	stream.linear.gather [hbm4b:s30+s2], $0x200, $0x38;
	[tilespmem:$0x10200] =	vst v63  }
0xd3: {  	s1 =	ssub.s32 s1, s31;
	_ =	swait.ge [sflag:s3], $0x200  }
0xd4: {  	s1 =	smax.u32 s1, $0x1;
	[sflag:s3] =	ssyncset.done $0x0  }
0xd5: {  	p0 =	sne.s32 s1, $0x1;
	[sflag:s3] =	ssyncadd.s32 $0xFFFFFE00  }
0xd6: {  	[tilespmem:s5], [sflag:$0x1] =	stream.indirect.gather [hbm4b:s4+s5], $0x80, s2, s5, $0xb8;
	[tilespmem:$0x10200] =	vst v63  }
.Ltmp0:
0xd7: {  	_ =	swait.ge [sflag:s6], $0x10000;
	(pc) =	sbr.rel @!p0 .LBB2_2-.Ltmp0, $4  }
0xd8: {  	s0 =	sshll.u32 s0, $0x4;
	[sflag:s6] =	ssyncset.done $0x0;
	s31 =	rddreg [dreg:$0xd]  }
0xd9: {  	s31 =	sadd.s32 s31, s0;
	[sflag:s6] =	ssyncadd.s32 $0xFFFF0000  }
0xda: {  	[hbm4b:s31+s2] =	stream.linear.scatter [tilespmem:s5], [sflag:$0x2], $0x10000, $0x38;
	[tilespmem:$0x10200] =	vst v63  }
0xdb: {  	s1 =	sadd.s32 $0xFFFFFFFF, s1;
	_ =	swait.ge [sflag:s3], $0x10000  }
.LBB2_1:
0xdc: {  	[sflag:s3] =	ssyncset.done $0x0  }
0xdd: {  	s0 =	rddreg [dreg:$0x3];
	[sflag:s3] =	ssyncadd.s32 $0xFFFF0000  }
0xde: {  	[tilespmem:s2], [sflag:$0x2] =	stream.linear.gather [hbm4b:s0+s2], $0x200, $0x38;
	[tilespmem:$0x10200] =	vst v63  }
0xdf: {  	_ =	swait.ge [sflag:s3], $0x200  }
0xe0: {  	[sflag:s3] =	ssyncset.done $0x0  }
0xe1: {  	[sflag:s3] =	ssyncadd.s32 $0xFFFFFE00  }
0xe2: {  	[tilespmem:s5], [sflag:$0x1] =	stream.indirect.gather [hbm4b:s4+s5], $0x80, s2, s5, $0xb8;
	[tilespmem:$0x10200] =	vst v63  }
0xe3: {  	_ =	swait.ge [sflag:s6], $0x10000  }
0xe4: {  	[sflag:s6] =	ssyncset.done $0x0  }
0xe5: {  	s0 =	rddreg [dreg:$0x4];
	[sflag:s6] =	ssyncadd.s32 $0xFFFF0000  }
0xe6: {  	[hbm4b:s0+s2] =	stream.linear.scatter [tilespmem:s5], [sflag:$0x2], $0x10000, $0x38;
	[tilespmem:$0x10200] =	vst v63  }
0xe7: {  	_ =	swait.ge [sflag:s3], $0x10000  }
0xe8: {  	[sflag:s3] =	ssyncset.done $0x0  }
0xe9: {  	s0 =	rddreg [dreg:$0x5];
	[sflag:s3] =	ssyncadd.s32 $0xFFFF0000  }
0xea: {  	[tilespmem:s2], [sflag:$0x2] =	stream.linear.gather [hbm4b:s0+s2], $0x200, $0x38;
	[tilespmem:$0x10200] =	vst v63  }
0xeb: {  	_ =	swait.ge [sflag:s3], $0x200  }
0xec: {  	[sflag:s3] =	ssyncset.done $0x0  }
0xed: {  	[sflag:s3] =	ssyncadd.s32 $0xFFFFFE00  }
0xee: {  	[tilespmem:s5], [sflag:$0x1] =	stream.indirect.gather [hbm4b:s4+s5], $0x80, s2, s5, $0xb8;
	[tilespmem:$0x10200] =	vst v63  }
0xef: {  	_ =	swait.ge [sflag:s6], $0x10000  }
0xf0: {  	[sflag:s6] =	ssyncset.done $0x0  }
0xf1: {  	s0 =	rddreg [dreg:$0x6];
	[sflag:s6] =	ssyncadd.s32 $0xFFFF0000  }
0xf2: {  	[hbm4b:s0+s2] =	stream.linear.scatter [tilespmem:s5], [sflag:$0x2], $0x10000, $0x38;
	[tilespmem:$0x10200] =	vst v63  }
0xf3: {  	_ =	swait.ge [sflag:s3], $0x10000  }
0xf4: {  	[sflag:s3] =	ssyncset.done $0x0  }
0xf5: {  	s0 =	rddreg [dreg:$0x7];
	[sflag:s3] =	ssyncadd.s32 $0xFFFF0000  }
0xf6: {  	[tilespmem:s2], [sflag:$0x2] =	stream.linear.gather [hbm4b:s0+s2], $0x200, $0x38;
	[tilespmem:$0x10200] =	vst v63  }
0xf7: {  	_ =	swait.ge [sflag:s3], $0x200  }
0xf8: {  	[sflag:s3] =	ssyncset.done $0x0  }
0xf9: {  	[sflag:s3] =	ssyncadd.s32 $0xFFFFFE00  }
0xfa: {  	[tilespmem:s5], [sflag:$0x1] =	stream.indirect.gather [hbm4b:s4+s5], $0x80, s2, s5, $0xb8;
	[tilespmem:$0x10200] =	vst v63  }
0xfb: {  	_ =	swait.ge [sflag:s6], $0x10000  }
0xfc: {  	[sflag:s6] =	ssyncset.done $0x0  }
0xfd: {  	s0 =	rddreg [dreg:$0x8];
	[sflag:s6] =	ssyncadd.s32 $0xFFFF0000  }
0xfe: {  	[hbm4b:s0+s2] =	stream.linear.scatter [tilespmem:s5], [sflag:$0x2], $0x10000, $0x38;
	[tilespmem:$0x10200] =	vst v63  }
0xff: {  	_ =	swait.ge [sflag:s3], $0x10000  }
0x100: {  	[sflag:s3] =	ssyncset.done $0x0  }
0x101: {  	s0 =	rddreg [dreg:$0x9];
	[sflag:s3] =	ssyncadd.s32 $0xFFFF0000  }
0x102: {  	[tilespmem:s2], [sflag:$0x2] =	stream.linear.gather [hbm4b:s0+s2], $0x200, $0x38;
	[tilespmem:$0x10200] =	vst v63  }
0x103: {  	_ =	swait.ge [sflag:s3], $0x200  }
0x104: {  	[sflag:s3] =	ssyncset.done $0x0  }
0x105: {  	[sflag:s3] =	ssyncadd.s32 $0xFFFFFE00  }
0x106: {  	[tilespmem:s5], [sflag:$0x1] =	stream.indirect.gather [hbm4b:s4+s5], $0x80, s2, s5, $0xb8;
	[tilespmem:$0x10200] =	vst v63  }
0x107: {  	_ =	swait.ge [sflag:s6], $0x10000  }
0x108: {  	[sflag:s6] =	ssyncset.done $0x0  }
0x109: {  	s0 =	rddreg [dreg:$0xa];
	[sflag:s6] =	ssyncadd.s32 $0xFFFF0000  }
0x10a: {  	[hbm4b:s0+s2] =	stream.linear.scatter [tilespmem:s5], [sflag:$0x2], $0x10000, $0x38;
	[tilespmem:$0x10200] =	vst v63  }
0x10b: {  	_ =	swait.ge [sflag:s3], $0x10000  }
0x10c: {  	[sflag:s3] =	ssyncset.done $0x0  }
0x10d: {  	s0 =	rddreg [dreg:$0xb];
	[sflag:s3] =	ssyncadd.s32 $0xFFFF0000  }
0x10e: {  	[tilespmem:s2], [sflag:$0x2] =	stream.linear.gather [hbm4b:s0+s2], $0x200, $0x38;
	[tilespmem:$0x10200] =	vst v63  }
0x10f: {  	_ =	swait.ge [sflag:s3], $0x200  }
0x110: {  	[sflag:s3] =	ssyncset.done $0x0  }
0x111: {  	[sflag:s3] =	ssyncadd.s32 $0xFFFFFE00  }
0x112: {  	[tilespmem:s5], [sflag:$0x1] =	stream.indirect.gather [hbm4b:s4+s5], $0x80, s2, s5, $0xb8;
	[tilespmem:$0x10200] =	vst v63  }
0x113: {  	_ =	swait.ge [sflag:s6], $0x10000  }
0x114: {  	[sflag:s6] =	ssyncset.done $0x0  }
0x115: {  	s0 =	rddreg [dreg:$0xc];
	[sflag:s6] =	ssyncadd.s32 $0xFFFF0000  }
0x116: {  	[hbm4b:s0+s2] =	stream.linear.scatter [tilespmem:s5], [sflag:$0x2], $0x10000, $0x38;
	[tilespmem:$0x10200] =	vst v63  }
0x117: {  	_ =	swait.ge [sflag:s3], $0x10000  }
0x118: {  	[sflag:s3] =	ssyncset.done $0x0  }
0x119: {  	[sflag:s3] =	ssyncadd.s32 $0xFFFF0000  }
0x11a: {  	[tilespmem:s2], [sflag:$0x2] =	stream.linear.gather [hbm4b:s7+s2], $0x200, $0x38;
	[tilespmem:$0x10200] =	vst v63  }
0x11b: {  	_ =	swait.ge [sflag:s3], $0x200  }
0x11c: {  	[sflag:s3] =	ssyncset.done $0x0  }
0x11d: {  	[sflag:s3] =	ssyncadd.s32 $0xFFFFFE00  }
0x11e: {  	[tilespmem:s5], [sflag:$0x1] =	stream.indirect.gather [hbm4b:s4+s5], $0x80, s2, s5, $0xb8;
	[tilespmem:$0x10200] =	vst v63  }
0x11f: {  	_ =	swait.ge [sflag:s6], $0x10000  }
0x120: {  	[sflag:s6] =	ssyncset.done $0x0  }
0x121: {  	[sflag:s6] =	ssyncadd.s32 $0xFFFF0000  }
0x122: {  	[hbm4b:s8+s2] =	stream.linear.scatter [tilespmem:s5], [sflag:$0x2], $0x10000, $0x38;
	[tilespmem:$0x10200] =	vst v63  }
0x123: {  	_ =	swait.ge [sflag:s3], $0x10000  }
0x124: {  	[sflag:s3] =	ssyncset.done $0x0  }
0x125: {  	[sflag:s3] =	ssyncadd.s32 $0xFFFF0000  }
0x126: {  	[tilespmem:s2], [sflag:$0x2] =	stream.linear.gather [hbm4b:s9+s2], $0x200, $0x38;
	[tilespmem:$0x10200] =	vst v63  }
0x127: {  	_ =	swait.ge [sflag:s3], $0x200  }
0x128: {  	[sflag:s3] =	ssyncset.done $0x0  }
0x129: {  	[sflag:s3] =	ssyncadd.s32 $0xFFFFFE00  }
0x12a: {  	[tilespmem:s5], [sflag:$0x1] =	stream.indirect.gather [hbm4b:s4+s5], $0x80, s2, s5, $0xb8;
	[tilespmem:$0x10200] =	vst v63  }
0x12b: {  	_ =	swait.ge [sflag:s6], $0x10000  }
0x12c: {  	[sflag:s6] =	ssyncset.done $0x0  }
0x12d: {  	[sflag:s6] =	ssyncadd.s32 $0xFFFF0000  }
0x12e: {  	[hbm4b:s10+s2] =	stream.linear.scatter [tilespmem:s5], [sflag:$0x2], $0x10000, $0x38;
	[tilespmem:$0x10200] =	vst v63  }
0x12f: {  	_ =	swait.ge [sflag:s3], $0x10000  }
0x130: {  	[sflag:s3] =	ssyncset.done $0x0  }
0x131: {  	[sflag:s3] =	ssyncadd.s32 $0xFFFF0000  }
0x132: {  	[tilespmem:s2], [sflag:$0x2] =	stream.linear.gather [hbm4b:s11+s2], $0x200, $0x38;
	[tilespmem:$0x10200] =	vst v63  }
0x133: {  	_ =	swait.ge [sflag:s3], $0x200  }
0x134: {  	[sflag:s3] =	ssyncset.done $0x0  }
0x135: {  	[sflag:s3] =	ssyncadd.s32 $0xFFFFFE00  }
0x136: {  	[tilespmem:s5], [sflag:$0x1] =	stream.indirect.gather [hbm4b:s4+s5], $0x80, s2, s5, $0xb8;
	[tilespmem:$0x10200] =	vst v63  }
0x137: {  	_ =	swait.ge [sflag:s6], $0x10000  }
0x138: {  	[sflag:s6] =	ssyncset.done $0x0  }
0x139: {  	[sflag:s6] =	ssyncadd.s32 $0xFFFF0000  }
0x13a: {  	[hbm4b:s12+s2] =	stream.linear.scatter [tilespmem:s5], [sflag:$0x2], $0x10000, $0x38;
	[tilespmem:$0x10200] =	vst v63  }
0x13b: {  	_ =	swait.ge [sflag:s3], $0x10000  }
0x13c: {  	[sflag:s3] =	ssyncset.done $0x0  }
0x13d: {  	[sflag:s3] =	ssyncadd.s32 $0xFFFF0000  }
0x13e: {  	[tilespmem:s2], [sflag:$0x2] =	stream.linear.gather [hbm4b:s13+s2], $0x200, $0x38;
	[tilespmem:$0x10200] =	vst v63  }
0x13f: {  	_ =	swait.ge [sflag:s3], $0x200  }
0x140: {  	[sflag:s3] =	ssyncset.done $0x0  }
0x141: {  	[sflag:s3] =	ssyncadd.s32 $0xFFFFFE00  }
0x142: {  	[tilespmem:s5], [sflag:$0x1] =	stream.indirect.gather [hbm4b:s4+s5], $0x80, s2, s5, $0xb8;
	[tilespmem:$0x10200] =	vst v63  }
0x143: {  	_ =	swait.ge [sflag:s6], $0x10000  }
0x144: {  	[sflag:s6] =	ssyncset.done $0x0  }
0x145: {  	[sflag:s6] =	ssyncadd.s32 $0xFFFF0000  }
0x146: {  	[hbm4b:s14+s2] =	stream.linear.scatter [tilespmem:s5], [sflag:$0x2], $0x10000, $0x38;
	[tilespmem:$0x10200] =	vst v63  }
0x147: {  	_ =	swait.ge [sflag:s3], $0x10000  }
0x148: {  	[sflag:s3] =	ssyncset.done $0x0  }
0x149: {  	[sflag:s3] =	ssyncadd.s32 $0xFFFF0000  }
0x14a: {  	[tilespmem:s2], [sflag:$0x2] =	stream.linear.gather [hbm4b:s15+s2], $0x200, $0x38;
	[tilespmem:$0x10200] =	vst v63  }
0x14b: {  	_ =	swait.ge [sflag:s3], $0x200  }
0x14c: {  	[sflag:s3] =	ssyncset.done $0x0  }
0x14d: {  	[sflag:s3] =	ssyncadd.s32 $0xFFFFFE00  }
0x14e: {  	[tilespmem:s5], [sflag:$0x1] =	stream.indirect.gather [hbm4b:s4+s5], $0x80, s2, s5, $0xb8;
	[tilespmem:$0x10200] =	vst v63  }
0x14f: {  	_ =	swait.ge [sflag:s6], $0x10000  }
0x150: {  	[sflag:s6] =	ssyncset.done $0x0  }
0x151: {  	[sflag:s6] =	ssyncadd.s32 $0xFFFF0000  }
0x152: {  	[hbm4b:s16+s2] =	stream.linear.scatter [tilespmem:s5], [sflag:$0x2], $0x10000, $0x38;
	[tilespmem:$0x10200] =	vst v63  }
0x153: {  	_ =	swait.ge [sflag:s3], $0x10000  }
0x154: {  	[sflag:s3] =	ssyncset.done $0x0  }
0x155: {  	[sflag:s3] =	ssyncadd.s32 $0xFFFF0000  }
0x156: {  	[tilespmem:s2], [sflag:$0x2] =	stream.linear.gather [hbm4b:s17+s2], $0x200, $0x38;
	[tilespmem:$0x10200] =	vst v63  }
0x157: {  	_ =	swait.ge [sflag:s3], $0x200  }
0x158: {  	[sflag:s3] =	ssyncset.done $0x0  }
0x159: {  	[sflag:s3] =	ssyncadd.s32 $0xFFFFFE00  }
0x15a: {  	[tilespmem:s5], [sflag:$0x1] =	stream.indirect.gather [hbm4b:s4+s5], $0x80, s2, s5, $0xb8;
	[tilespmem:$0x10200] =	vst v63  }
0x15b: {  	_ =	swait.ge [sflag:s6], $0x10000  }
0x15c: {  	[sflag:s6] =	ssyncset.done $0x0  }
0x15d: {  	[sflag:s6] =	ssyncadd.s32 $0xFFFF0000  }
0x15e: {  	[hbm4b:s18+s2] =	stream.linear.scatter [tilespmem:s5], [sflag:$0x2], $0x10000, $0x38;
	[tilespmem:$0x10200] =	vst v63  }
0x15f: {  	_ =	swait.ge [sflag:s3], $0x10000  }
0x160: {  	[sflag:s3] =	ssyncset.done $0x0  }
0x161: {  	[sflag:s3] =	ssyncadd.s32 $0xFFFF0000  }
0x162: {  	[tilespmem:s2], [sflag:$0x2] =	stream.linear.gather [hbm4b:s19+s2], $0x200, $0x38;
	[tilespmem:$0x10200] =	vst v63  }
0x163: {  	_ =	swait.ge [sflag:s3], $0x200  }
0x164: {  	[sflag:s3] =	ssyncset.done $0x0  }
0x165: {  	[sflag:s3] =	ssyncadd.s32 $0xFFFFFE00  }
0x166: {  	[tilespmem:s5], [sflag:$0x1] =	stream.indirect.gather [hbm4b:s4+s5], $0x80, s2, s5, $0xb8;
	[tilespmem:$0x10200] =	vst v63  }
0x167: {  	_ =	swait.ge [sflag:s6], $0x10000  }
0x168: {  	[sflag:s6] =	ssyncset.done $0x0  }
0x169: {  	[sflag:s6] =	ssyncadd.s32 $0xFFFF0000  }
0x16a: {  	[hbm4b:s20+s2] =	stream.linear.scatter [tilespmem:s5], [sflag:$0x2], $0x10000, $0x38;
	[tilespmem:$0x10200] =	vst v63  }
0x16b: {  	_ =	swait.ge [sflag:s3], $0x10000  }
0x16c: {  	[sflag:s3] =	ssyncset.done $0x0  }
0x16d: {  	[sflag:s3] =	ssyncadd.s32 $0xFFFF0000  }
0x16e: {  	[tilespmem:s2], [sflag:$0x2] =	stream.linear.gather [hbm4b:s21+s2], $0x200, $0x38;
	[tilespmem:$0x10200] =	vst v63  }
0x16f: {  	_ =	swait.ge [sflag:s3], $0x200  }
0x170: {  	[sflag:s3] =	ssyncset.done $0x0  }
0x171: {  	[sflag:s3] =	ssyncadd.s32 $0xFFFFFE00  }
0x172: {  	[tilespmem:s5], [sflag:$0x1] =	stream.indirect.gather [hbm4b:s4+s5], $0x80, s2, s5, $0xb8;
	[tilespmem:$0x10200] =	vst v63  }
0x173: {  	_ =	swait.ge [sflag:s6], $0x10000  }
0x174: {  	[sflag:s6] =	ssyncset.done $0x0  }
0x175: {  	[sflag:s6] =	ssyncadd.s32 $0xFFFF0000  }
0x176: {  	[hbm4b:s22+s2] =	stream.linear.scatter [tilespmem:s5], [sflag:$0x2], $0x10000, $0x38;
	[tilespmem:$0x10200] =	vst v63  }
0x177: {  	_ =	swait.ge [sflag:s3], $0x10000  }
0x178: {  	[sflag:s3] =	ssyncset.done $0x0  }
0x179: {  	[sflag:s3] =	ssyncadd.s32 $0xFFFF0000  }
0x17a: {  	[tilespmem:s2], [sflag:$0x2] =	stream.linear.gather [hbm4b:s23+s2], $0x200, $0x38;
	[tilespmem:$0x10200] =	vst v63  }
0x17b: {  	_ =	swait.ge [sflag:s3], $0x200  }
0x17c: {  	[sflag:s3] =	ssyncset.done $0x0  }
0x17d: {  	[sflag:s3] =	ssyncadd.s32 $0xFFFFFE00  }
0x17e: {  	[tilespmem:s5], [sflag:$0x1] =	stream.indirect.gather [hbm4b:s4+s5], $0x80, s2, s5, $0xb8;
	[tilespmem:$0x10200] =	vst v63  }
0x17f: {  	_ =	swait.ge [sflag:s6], $0x10000  }
0x180: {  	[sflag:s6] =	ssyncset.done $0x0  }
0x181: {  	[sflag:s6] =	ssyncadd.s32 $0xFFFF0000  }
0x182: {  	[hbm4b:s24+s2] =	stream.linear.scatter [tilespmem:s5], [sflag:$0x2], $0x10000, $0x38;
	[tilespmem:$0x10200] =	vst v63  }
0x183: {  	_ =	swait.ge [sflag:s3], $0x10000  }
0x184: {  	[sflag:s3] =	ssyncset.done $0x0  }
0x185: {  	[sflag:s3] =	ssyncadd.s32 $0xFFFF0000  }
0x186: {  	[tilespmem:s2], [sflag:$0x2] =	stream.linear.gather [hbm4b:s25+s2], $0x200, $0x38;
	[tilespmem:$0x10200] =	vst v63  }
0x187: {  	_ =	swait.ge [sflag:s3], $0x200  }
0x188: {  	[sflag:s3] =	ssyncset.done $0x0  }
0x189: {  	[sflag:s3] =	ssyncadd.s32 $0xFFFFFE00  }
0x18a: {  	[tilespmem:s5], [sflag:$0x1] =	stream.indirect.gather [hbm4b:s4+s5], $0x80, s2, s5, $0xb8;
	[tilespmem:$0x10200] =	vst v63  }
0x18b: {  	_ =	swait.ge [sflag:s6], $0x10000  }
0x18c: {  	[sflag:s6] =	ssyncset.done $0x0  }
0x18d: {  	[sflag:s6] =	ssyncadd.s32 $0xFFFF0000  }
0x18e: {  	[hbm4b:s26+s2] =	stream.linear.scatter [tilespmem:s5], [sflag:$0x2], $0x10000, $0x38;
	[tilespmem:$0x10200] =	vst v63  }
0x18f: {  	_ =	swait.ge [sflag:s3], $0x10000  }
0x190: {  	[sflag:s3] =	ssyncset.done $0x0  }
0x191: {  	[sflag:s3] =	ssyncadd.s32 $0xFFFF0000  }
0x192: {  	[tilespmem:s2], [sflag:$0x2] =	stream.linear.gather [hbm4b:s28+s2], $0x200, $0x38;
	[tilespmem:$0x10200] =	vst v63  }
0x193: {  	_ =	swait.ge [sflag:s3], $0x200  }
0x194: {  	[sflag:s3] =	ssyncset.done $0x0  }
0x195: {  	[sflag:s3] =	ssyncadd.s32 $0xFFFFFE00  }
0x196: {  	[tilespmem:s5], [sflag:$0x1] =	stream.indirect.gather [hbm4b:s4+s5], $0x80, s2, s5, $0xb8;
	[tilespmem:$0x10200] =	vst v63  }
0x197: {  	_ =	swait.ge [sflag:s6], $0x10000  }
0x198: {  	[sflag:s6] =	ssyncset.done $0x0  }
0x199: {  	[sflag:s6] =	ssyncadd.s32 $0xFFFF0000  }
0x19a: {  	[hbm4b:s29+s2] =	stream.linear.scatter [tilespmem:s5], [sflag:$0x2], $0x10000, $0x38;
	[tilespmem:$0x10200] =	vst v63  }
0x19b: {  	_ =	swait.ge [sflag:s3], $0x10000  }
0x19c: {  	[sflag:s3] =	ssyncset.done $0x0  }
0x19d: {  	[sflag:s3] =	ssyncadd.s32 $0xFFFF0000  }
0x19e: {  	[tilespmem:s2], [sflag:$0x2] =	stream.linear.gather [hbm4b:s30+s2], $0x200, $0x38;
	[tilespmem:$0x10200] =	vst v63  }
0x19f: {  	_ =	swait.ge [sflag:s3], $0x200  }
0x1a0: {  	[sflag:s3] =	ssyncset.done $0x0  }
0x1a1: {  	p0 =	sne.s32 s1, $0x1;
	[sflag:s3] =	ssyncadd.s32 $0xFFFFFE00  }
0x1a2: {  	[tilespmem:s5], [sflag:$0x1] =	stream.indirect.gather [hbm4b:s4+s5], $0x80, s2, s5, $0xb8;
	[tilespmem:$0x10200] =	vst v63  }
.Ltmp1:
0x1a3: {  	_ =	swait.ge [sflag:s6], $0x10000;
	(pc) =	sbr.rel @p0 .LBB2_1-.Ltmp1, $4  }
0x1a4: {  	[sflag:s6] =	ssyncset.done $0x0  }
0x1a5: {  	[sflag:s6] =	ssyncadd.s32 $0xFFFF0000  }
0x1a6: {  	[hbm4b:s31+s2] =	stream.linear.scatter [tilespmem:s5], [sflag:$0x2], $0x10000, $0x38;
	[tilespmem:$0x10200] =	vst v63  }
0x1a7: {  	s1 =	sadd.s32 $0xFFFFFFFF, s1;
	_ =	swait.ge [sflag:s3], $0x10000  }
.LBB2_2:
0x1a8: {  	[sflag:s3] =	ssyncset.done $0x0  }
0x1a9: {  	[sflag:s3] =	ssyncadd.s32 $0xFFFF0000  }
0x1aa: {  	_ =	sfence.sel $0x180000  }
0x1ab: {  	[bflag:$0x0] =	sbarrier.arrive $0xFFFF  }
0x1ac: {  	_ =	strace $0x9000004A  }
0x1ad: {  	s0 =	stileid.u32;
	[bflag:$0x2] =	sbarrier.arrive $0xFFFF  }
0x1ae: {  	p0 =	sne.s32 s0, $0x0;
	s0 =	rddreg [dreg:$0x2]  }
0x1af: {  	s0 =	sadd.s32 @!p0 $0x100000, s0  }
0x1b0: {  	[sflag:s0] =	ssyncadd.tile.s32 @!p0 $0x1;
	_ =	shalt  }
.Lfunc_end2:
_tile_overlayer_lowered:
.L_overlay_start_2:
0x1b1: {  	(tag) =	ssettag $0x2  }
0x1b2: {  	s0 =	rddreg [dreg:$0x0];
	s2 =	stileid.u32  }
0x1b3: {  	s1 =	rddreg [dreg:$0x1];
	p0 =	sne.s32 s2, $0x0  }
0x1b4: {  	s3 =	rddreg [dreg:$0x2];
	[bflag:$0x3] =	sbarrier.arrive $0xFFFF;
	s2 =	simm.s32 @!p0 $0x1C02  }
0x1b5: {  	[timem:s3], [sflag:s2] =	dma.local @!p0 [hbm:s0], s1  }
0x1b6: {  	s0 =	simm.s32 @!p0 $0x2  }
0x1b7: {  	_ =	swait.ge @!p0 [sflag:s0], s1  }
0x1b8: {  	s1 =	ssub.s32 @!p0 $0x0, s1;
	[sflag:s0] =	ssyncset.done @!p0 $0x0  }
0x1b9: {  	[sflag:s0] =	ssyncadd.s32 @!p0 s1  }
0x1ba: {  	[bflag:$0x3] =	sbarrier.arrive $0xFFFF  }
0x1bb: {  	_ =	shalt  }

// kernel: kernel.9.cloned.1.call-start
scs
__scs_entry_jumppad:
0x0: {  	(pc) =	sbr.rel $0x88, $3  }
0x1: {  	(tag) =	ssettag $0x0;
	lr =	simm.s32 $0x1  }
0x2: {  	[smem:$0x3F9A] =	sst lr;
	_ =	strace $0xD0000000  }
0x3: {  	_ = 	snop  }
0x4: {  	_ = 	snop  }
0x5: {  	_ = 	snop  }
0x6: {  	_ = 	snop  }
0x7: {  	_ = 	snop  }
__scs_overlays_trampoline_lowered:
0x8: {  	[smem:$0x3FA9] =	sst s0  }
0x9: {  	[smem:$0x3FAA] =	sst s1  }
0xa: {  	[smem:$0x3FAB] =	sst s2  }
0xb: {  	[smem:$0x3FAC] =	sst s3  }
0xc: {  	[smem:$0x3FAD] =	sst s4  }
0xd: {  	[smem:$0x3FAE] =	sst s5  }
0xe: {  	[smem:$0x3FAF] =	sst s6  }
0xf: {  	[smem:$0x3FB0] =	sst s7  }
0x10: {  	[smem:$0x3FB1] =	sst s8  }
0x11: {  	[smem:$0x3FB2] =	sst s9;
	s0 =	simm.s32 @!p0 $0x0  }
0x12: {  	s1 =	sld [smem:$0x3F98];
	s0 =	simm.s32 @p0 $0x1  }
0x13: {  	[smem:$0x3FB3] =	sst s0;
	s0 =	simm.s32 @!p1 $0x0  }
0x14: {  	s2 =	sld [smem:$0x3F97];
	s0 =	simm.s32 @p1 $0x1  }
0x15: {  	[smem:$0x3FB4] =	sst s0;
	s0 =	simm.s32 @!p2 $0x0  }
0x16: {  	s3 =	sld [smem:$0x3FDB];
	s0 =	simm.s32 @p2 $0x1  }
0x17: {  	s4 =	simm.s32 $0x1BF5;
	[smem:$0x3FB6] =	sst s0  }
0x18: {  	s0 =	sld [smem:$0x3F99];
	_ =	swait.ge [sflag:s4], $0x0  }
0x19: {  	s7 =	sld [smem:$0x3F9A]  }
0x1a: {  	s8 =	sadd.s32 $0xFFFFE003, lr  }
0x1b: {  	s9 =	sadd.s32 $0xFFFFFEF7, lr;
	s5 =	simm.s32 $0xFFFFFFFF;
	p2 =	slt.u32 s8, $0xFFFFF086  }
0x1c: {  	p1 =	slt.u32 s9, $0xF7A;
	s5 =	simm.s32 @!p2 $0x0  }
0x1d: {  	s5 =	simm.s32 @p1 $0x1;
	p0 =	seq.s32 s7, s2  }
0x1e: {  	s7 =	smul.u32 @!p0 $0xF7A, s2;
	p2 =	seq.s32 @!p0 s5, $0x0  }
0x1f: {  	s9 =	smul.u32 $0xF7A, s1;
	s8 =	simm.s32 @!p0 $0x1BF5;
	p2 =	por !p2, p0  }
0x20: {  	[sflag:s8] =	ssyncset.s32 @!p0 $0xFFFFF086;
	s6 =	sadd.s32 @!p0 s3, s7;
	s7 =	simm.s32 @!p0 $0x108  }
0x21: {  	s3 =	sadd.s32 s3, s9;
	s6 =	sadd.s32 @!p0 $0x88, s6;
	s7 =	simm.s32 @p2 $0x1082  }
0x22: {  	[simem:s7], [sflag:s8] =	dma.local @!p0 [hbm:s6], $0xF7A  }
0x23: {  	s9 =	sor.u32 $0xD0000000, s2;
	s6 =	simm.s32 $0x108;
	_ =	swait.ge @!p0 [sflag:s8], $0x0  }
0x24: {  	s3 =	sadd.s32 $0x88, s3;
	s6 =	simm.s32 @!p1 $0x1082;
	[sflag:s4] =	ssyncset.s32 $0xFFFFF086  }
0x25: {  	[simem:s6], [sflag:s4] =	dma.local [hbm:s3], $0xF7A  }
0x26: {  	[smem:$0x3F9A] =	sst s1;
	(tag) =	ssettag s2;
	_ =	strace s9  }
0x27: {  	s1 =	sld [smem:$0x3FAA]  }
0x28: {  	s2 =	sld [smem:$0x3FAB]  }
0x29: {  	s4 =	sld [smem:$0x3FAD]  }
0x2a: {  	p0 =	seq.s32 s5, $0x0;
	s5 =	sld [smem:$0x3FAE]  }
0x2b: {  	s6 =	sld [smem:$0x3FAF]  }
0x2c: {  	s7 =	sld [smem:$0x3FB0]  }
0x2d: {  	s3 =	simm.s32 $0x108;
	s8 =	sld [smem:$0x3FB1]  }
0x2e: {  	s3 =	simm.s32 @!p0 $0x1082;
	s9 =	sld [smem:$0x3FB2]  }
0x2f: {  	lr =	sadd.s32 s0, s3;
	s0 =	sld [smem:$0x3FA9]  }
0x30: {  	s3 =	sld [smem:$0x3FAC]  }
0x31: {  	[smem:$0x3FB5] =	sst s10  }
0x32: {  	s10 =	sld [smem:$0x3FB3];
	_ =	sdelay $0x3  }
0x33: {  	p0 =	seq.s32 s10, $0x1;
	s10 =	sld [smem:$0x3FB5];
	_ =	sdelay $0x3  }
0x34: {  	[smem:$0x3FB5] =	sst s10  }
0x35: {  	s10 =	sld [smem:$0x3FB4];
	_ =	sdelay $0x3  }
0x36: {  	p1 =	seq.s32 s10, $0x1;
	s10 =	sld [smem:$0x3FB5];
	_ =	sdelay $0x3  }
0x37: {  	[smem:$0x3FB5] =	sst s10  }
0x38: {  	s10 =	sld [smem:$0x3FB6]  }
0x39: {  	_ = 	snop;
	(pc) =	sbr.ind lr, $3  }
0x3a: {  	_ = 	snop  }
0x3b: {  	_ = 	snop  }
0x3c: {  	p2 =	seq.s32 s10, $0x1;
	s10 =	sld [smem:$0x3FB5]  }
0x3d: {  	_ =	shalt  }
0x3e: {  	_ =	shalt  }
0x3f: {  	_ =	shalt  }
0x40: {  	_ =	shalt  }
0x41: {  	_ =	shalt  }
0x42: {  	_ =	shalt  }
0x43: {  	_ =	shalt  }
0x44: {  	_ =	shalt  }
0x45: {  	_ =	shalt  }
0x46: {  	_ =	shalt  }
0x47: {  	_ =	shalt  }
0x48: {  	_ =	shalt  }
0x49: {  	_ =	shalt  }
0x4a: {  	_ =	shalt  }
0x4b: {  	_ =	shalt  }
0x4c: {  	_ =	shalt  }
0x4d: {  	_ =	shalt  }
0x4e: {  	_ =	shalt  }
0x4f: {  	_ =	shalt  }
0x50: {  	_ =	shalt  }
0x51: {  	_ =	shalt  }
0x52: {  	_ =	shalt  }
0x53: {  	_ =	shalt  }
0x54: {  	_ =	shalt  }
0x55: {  	_ =	shalt  }
0x56: {  	_ =	shalt  }
0x57: {  	_ =	shalt  }
0x58: {  	_ =	shalt  }
0x59: {  	_ =	shalt  }
0x5a: {  	_ =	shalt  }
0x5b: {  	_ =	shalt  }
0x5c: {  	_ =	shalt  }
0x5d: {  	_ =	shalt  }
0x5e: {  	_ =	shalt  }
0x5f: {  	_ =	shalt  }
0x60: {  	_ =	shalt  }
0x61: {  	_ =	shalt  }
0x62: {  	_ =	shalt  }
0x63: {  	_ =	shalt  }
0x64: {  	_ =	shalt  }
0x65: {  	_ =	shalt  }
0x66: {  	_ =	shalt  }
0x67: {  	_ =	shalt  }
0x68: {  	_ =	shalt  }
0x69: {  	_ =	shalt  }
0x6a: {  	_ =	shalt  }
0x6b: {  	_ =	shalt  }
0x6c: {  	_ =	shalt  }
0x6d: {  	_ =	shalt  }
0x6e: {  	_ =	shalt  }
0x6f: {  	_ =	shalt  }
0x70: {  	_ =	shalt  }
0x71: {  	_ =	shalt  }
0x72: {  	_ =	shalt  }
0x73: {  	_ =	shalt  }
0x74: {  	_ =	shalt  }
0x75: {  	_ =	shalt  }
0x76: {  	_ =	shalt  }
0x77: {  	_ =	shalt  }
0x78: {  	_ =	shalt  }
0x79: {  	_ =	shalt  }
0x7a: {  	_ =	shalt  }
0x7b: {  	_ =	shalt  }
0x7c: {  	_ =	shalt  }
0x7d: {  	_ =	shalt  }
0x7e: {  	_ =	shalt  }
0x7f: {  	_ =	shalt  }
0x80: {  	_ =	shalt  }
0x81: {  	_ =	shalt  }
0x82: {  	_ =	shalt  }
0x83: {  	_ =	shalt  }
0x84: {  	_ =	shalt  }
0x85: {  	_ =	shalt  }
0x86: {  	_ =	shalt  }
0x87: {  	_ =	shalt  }
.Lfunc_end0:
.L_simem_size_0:
called_computation.1_lowered:
.L_overlay_start_0:
0x88: {  	s2 =	sld [smem:$0x3FD9]  }
0x89: {  	s3 =	sld [smem:$0x3FFE];
	_ =	sdelay $0x1  }
0x8a: {  	s1 =	srdreg.scid  }
0x8b: {  	s0 =	sand.u32 $0x1, s1  }
0x8c: {  	s16 =	sshll.u32 s0, $0xA;
	s2 =	sadd.s32 s3, s2  }
0x8d: {  	s2 =	sadd.s32 s2, s16  }
0x8e: {  	[smem:$0x3FC1] =	sst s2  }
0x8f: {  	_ = 	snop  }
0x90: {  	(tm) =	ssettm $0x1  }
0x91: {  	s17 =	sld [smem:$0x3FFB];
	_ =	sdelay $0x3  }
0x92: {  	_ =	strace s17  }
0x93: {  	s2 =	sld [smem:$0x3FFC];
	_ =	sdelay $0x3  }
0x94: {  	_ =	strace s2  }
0x95: {  	s2 =	sld [smem:$0x3FFD];
	_ =	sdelay $0x3  }
0x96: {  	_ =	strace s2  }
0x97: {  	_ =	strace $0x8FFFFFFF  }
0x98: {  	s18 =	sld [smem:$0x3FDB];
	_ =	sdelay $0x1  }
0x99: {  	s19 =	simm.s32 $_scs_section_size  }
0x9a: {  	s4 =	simm.s32 $_size__tile_overlayer_lowered;
	s5 =	simm.s32 $_tile_overlayer_lowered  }
0x9b: {  	s22 =	simm.s32 $0x1BFF;
	s21 =	sshll.u32 s5, $0x1;
	s2 =	sadd.s32 s19, s18  }
0x9c: {  	s6 =	simm.s32 $0x0;
	s20 =	sshll.u32 s4, $0x1;
	s4 =	sadd.s32 s21, s2  }
0x9d: {  	[timem:s6], [sflag:s22] =	dma.local [hbm:s4], s20  }
0x9e: {  	_ =	swait.ge [sflag:s22], s20  }
0x9f: {  	s3 =	ssub.s32 $0x0, s20;
	[sflag:s22] =	ssyncset.done $0x0  }
0xa0: {  	[sflag:s22] =	ssyncadd.s32 s3;
	_ =	sdelay $0x1  }
0xa1: {  	s23 =	simm.s32 $0x1B8B  }
0xa2: {  	_ =	swait.ge [sflag:s23], $0x1  }
0xa3: {  	[sflag:s23] =	ssyncset.done $0x0  }
0xa4: {  	s25 =	simm.s32 $0x1B8E;
	s24 =	sld [smem:$0x3FFE];
	[sflag:s23] =	ssyncadd.s32 $0xFFFFFFFF  }
0xa5: {  	s26 =	simm.s32 $execute0_lowered;
	[smem:$0x3FD2] =	sst s25  }
0xa6: {  	s4 =	sshll.u32 s26, $0x1;
	_ =	strace $0x80000046;
	[dreg:$0x1] =	wrdreg $0xFFFFFFFF  }
0xa7: {  	s28 =	simm.s32 $_size_execute0_lowered;
	s2 =	sadd.s32 s2, s4;
	[dreg:$0x0] =	wrdreg $0x0  }
0xa8: {  	s4 =	sshll.u32 s28, $0x1;
	[dreg:$0x2] =	wrdreg s2  }
0xa9: {  	[dreg:$0x3] =	wrdreg s4  }
0xaa: {  	[dreg:$0x4] =	wrdreg $0xC0  }
0xab: {  	_ =	task [dreg:s6], $0x5FFFF  }
0xac: {  	[dreg:$0x1] =	wrdreg $0xFFFFFFFF  }
0xad: {  	[dreg:$0x0] =	wrdreg $0x60  }
0xae: {  	[dreg:$0x2] =	wrdreg s24  }
0xaf: {  	[dreg:$0x3] =	wrdreg $0xA  }
0xb0: {  	_ =	task.clear_ibuf [dreg:s6], $0x4FFFF;
	_ =	strace $0x90000046  }
0xb1: {  	s29 =	simm.s32 $0xA;
	_ =	strace $0x80000048  }
0xb2: {  	_ =	swait.ge [sflag:s29], $0x1  }
0xb3: {  	[sflag:s29] =	ssyncadd.s32 $0xFFFFFFFF  }
0xb4: {  	_ =	strace $0x90000048  }
0xb5: {  	_ =	sfence  }
0xb6: {  	s30 =	sld [smem:$0x0];
	_ =	sdelay $0x2  }
0xb7: {  	s31 =	sshll.u32 s1, $0xD;
	s1 =	sshrl.u32 s1, $0x2  }
0xb8: {  	s3 =	sand.u32 $0x4000, s31;
	s1 =	sadd.s32 s1, s30  }
0xb9: {  	s0 =	sor.u32 s3, s0;
	s1 =	sshll.u32 s1, $0x11  }
0xba: {  	s0 =	sor.u32 s1, s0  }
0xbb: {  	s0 =	sadd.s32 $0x8F2B, s0  }
0xbc: {  	[sflag:s0] =	ssyncadd.remote.s32 $0x1  }
0xbd: {  	_ =	sfence.sel $0xFFFF  }
0xbe: {  	[dreg:$0x0] =	wrdreg $0xFFFFFFFF;
	(pc) =	sbr.abs _section_cstart, $3  }
0xbf: {  	[dreg:$0x1] =	wrdreg $0xFFFFFFFF  }
0xc0: {  	_ =	task.clear_ibuf [dreg:s6], $0x2FFFF;
	_ =	strace $0x9FFFFFFF  }
0xc1: {  	(tm) =	ssettm $0x7FFFFFFF  }
tec
execute0_lowered:
.L_overlay_start_1:
0x0: {  	(tag) =	ssettag $0x1  }
0x1: {  	s1 =	srdreg.scid  }
0x2: {  	s0 =	stileid.u32;
	s13 =	sand.u32 $0x1, s1  }
0x3: {  	s30 =	sshll.u32 s0, $0xA;
	s2 =	sshll.u32 s13, $0x9  }
0x4: {  	s12 =	rddreg [dreg:$0x0];
	s8 =	sor.u32 s2, s30  }
0x5: {  	s1 =	rddreg [dreg:$0x1];
	s2 =	simm.s32 $0x0;
	s3 =	sshrl.u32 s8, $0x3  }
0x6: {  	[smem:$0x7FF] =	sst s2;
	s11 =	sadd.s32 s3, s12  }
0x7: {  	_ =	strace $0x80000047;
	s3 =	simm.s32 $0x2;
	s4 =	sadd.s32 $0x2DCAE00, s11  }
0x8: {  	[tilespmem:s2], [sflag:$0x2] =	stream.linear.gather [hbm4b:s4+s2], $0x200, $0x38;
	[tilespmem:$0x10200] =	vst v63  }
0x9: {  	_ =	swait.ge [sflag:s3], $0x200  }
0xa: {  	s6 =	simm.s32 $0x200;
	[sflag:s3] =	ssyncset.done $0x0  }
0xb: {  	s7 =	simm.s32 $0x1;
	s5 =	sadd.s32 $0x2DCBE00, s12;
	[sflag:s3] =	ssyncadd.s32 $0xFFFFFE00  }
0xc: {  	[tilespmem:s6], [sflag:$0x1] =	stream.indirect.gather [hbm4b:s5+s6], $0x80, s2, s6, $0xb8;
	[tilespmem:$0x10200] =	vst v63  }
0xd: {  	s8 =	sshll.u32 s8, $0x4;
	_ =	swait.ge [sflag:s7], $0x10000  }
0xe: {  	s14 =	sadd.s32 s8, s12;
	[sflag:s7] =	ssyncset.done $0x0  }
0xf: {  	s8 =	sadd.s32 $0x3200, s14;
	[sflag:s7] =	ssyncadd.s32 $0xFFFF0000  }
0x10: {  	[hbm4b:s8+s2] =	stream.linear.scatter [tilespmem:s6], [sflag:$0x2], $0x10000, $0x38;
	[tilespmem:$0x10200] =	vst v63  }
0x11: {  	_ =	swait.ge [sflag:s3], $0x10000  }
0x12: {  	[sflag:s3] =	ssyncset.done $0x0  }
0x13: {  	s9 =	sadd.s32 $0x319C800, s12;
	[sflag:s3] =	ssyncadd.s32 $0xFFFF0000  }
0x14: {  	[tilespmem:s6], [sflag:$0x1] =	stream.indirect.gather [hbm4b:s9+s6], $0x80, s2, s6, $0xb8;
	[tilespmem:$0x10200] =	vst v63  }
0x15: {  	_ =	swait.ge [sflag:s7], $0x10000  }
0x16: {  	[sflag:s7] =	ssyncset.done $0x0  }
0x17: {  	s10 =	sadd.s32 $0x43200, s14;
	[sflag:s7] =	ssyncadd.s32 $0xFFFF0000  }
0x18: {  	[hbm4b:s10+s2] =	stream.linear.scatter [tilespmem:s6], [sflag:$0x2], $0x10000, $0x38;
	[tilespmem:$0x10200] =	vst v63  }
0x19: {  	_ =	swait.ge [sflag:s3], $0x10000  }
0x1a: {  	[sflag:s3] =	ssyncset.done $0x0  }
0x1b: {  	s13 =	ssub.s32 $0x2, s13;
	s11 =	sadd.s32 $0x2DCA600, s11;
	[sflag:s3] =	ssyncadd.s32 $0xFFFF0000  }
0x1c: {  	[tilespmem:s2], [sflag:$0x2] =	stream.linear.gather [hbm4b:s11+s2], $0x200, $0x38;
	[tilespmem:$0x10200] =	vst v63  }
0x1d: {  	s15 =	sshrl.u32 s13, $0x1;
	_ =	swait.ge [sflag:s3], $0x200  }
0x1e: {  	s15 =	ssub.s32 s13, s15;
	[sflag:s3] =	ssyncset.done $0x0  }
0x1f: {  	s12 =	sadd.s32 $0x356D200, s12;
	s31 =	smax.u32 s15, $0x1;
	[sflag:s3] =	ssyncadd.s32 $0xFFFFFE00  }
0x20: {  	[tilespmem:s6], [sflag:$0x1] =	stream.indirect.gather [hbm4b:s12+s6], $0x80, s2, s6, $0xb8;
	[tilespmem:$0x10200] =	vst v63  }
0x21: {  	p0 =	sne.s32 s31, $0x1;
	_ =	swait.ge [sflag:s7], $0x10000  }
.Ltmp0:
0x22: {  	[sflag:s7] =	ssyncset.done $0x0;
	(pc) =	sbr.rel @!p0 .LBB2_2-.Ltmp0, $4  }
0x23: {  	s13 =	sadd.s32 $0x83200, s14;
	[sflag:s7] =	ssyncadd.s32 $0xFFFF0000  }
0x24: {  	[hbm4b:s13+s2] =	stream.linear.scatter [tilespmem:s6], [sflag:$0x2], $0x10000, $0x38;
	[tilespmem:$0x10200] =	vst v63  }
0x25: {  	_ =	swait.ge [sflag:s3], $0x10000  }
0x26: {  	s14 =	sadd.s32 $0xFFFFFFFF, s31;
	[sflag:s3] =	ssyncset.done $0x0  }
.LBB2_1:
0x27: {  	p0 =	sne.s32 s14, $0x1;
	s14 =	sadd.s32 $0xFFFFFFFF, s14;
	[sflag:s3] =	ssyncadd.s32 $0xFFFF0000  }
0x28: {  	[tilespmem:s2], [sflag:$0x2] =	stream.linear.gather [hbm4b:s4+s2], $0x200, $0x38;
	[tilespmem:$0x10200] =	vst v63  }
0x29: {  	_ =	swait.ge [sflag:s3], $0x200  }
0x2a: {  	[sflag:s3] =	ssyncset.done $0x0  }
0x2b: {  	[sflag:s3] =	ssyncadd.s32 $0xFFFFFE00  }
0x2c: {  	[tilespmem:s6], [sflag:$0x1] =	stream.indirect.gather [hbm4b:s5+s6], $0x80, s2, s6, $0xb8;
	[tilespmem:$0x10200] =	vst v63  }
0x2d: {  	_ =	swait.ge [sflag:s7], $0x10000  }
0x2e: {  	[sflag:s7] =	ssyncset.done $0x0  }
0x2f: {  	[sflag:s7] =	ssyncadd.s32 $0xFFFF0000  }
0x30: {  	[hbm4b:s8+s2] =	stream.linear.scatter [tilespmem:s6], [sflag:$0x2], $0x10000, $0x38;
	[tilespmem:$0x10200] =	vst v63  }
0x31: {  	_ =	swait.ge [sflag:s3], $0x10000  }
0x32: {  	[sflag:s3] =	ssyncset.done $0x0  }
0x33: {  	[sflag:s3] =	ssyncadd.s32 $0xFFFF0000  }
0x34: {  	[tilespmem:s6], [sflag:$0x1] =	stream.indirect.gather [hbm4b:s9+s6], $0x80, s2, s6, $0xb8;
	[tilespmem:$0x10200] =	vst v63  }
0x35: {  	_ =	swait.ge [sflag:s7], $0x10000  }
0x36: {  	[sflag:s7] =	ssyncset.done $0x0  }
0x37: {  	[sflag:s7] =	ssyncadd.s32 $0xFFFF0000  }
0x38: {  	[hbm4b:s10+s2] =	stream.linear.scatter [tilespmem:s6], [sflag:$0x2], $0x10000, $0x38;
	[tilespmem:$0x10200] =	vst v63  }
0x39: {  	_ =	swait.ge [sflag:s3], $0x10000  }
0x3a: {  	[sflag:s3] =	ssyncset.done $0x0  }
0x3b: {  	[sflag:s3] =	ssyncadd.s32 $0xFFFF0000  }
0x3c: {  	[tilespmem:s2], [sflag:$0x2] =	stream.linear.gather [hbm4b:s11+s2], $0x200, $0x38;
	[tilespmem:$0x10200] =	vst v63  }
0x3d: {  	_ =	swait.ge [sflag:s3], $0x200  }
0x3e: {  	[sflag:s3] =	ssyncset.done $0x0  }
0x3f: {  	[sflag:s3] =	ssyncadd.s32 $0xFFFFFE00  }
0x40: {  	[tilespmem:s6], [sflag:$0x1] =	stream.indirect.gather [hbm4b:s12+s6], $0x80, s2, s6, $0xb8;
	[tilespmem:$0x10200] =	vst v63  }
0x41: {  	_ =	swait.ge [sflag:s7], $0x10000  }
.Ltmp1:
0x42: {  	[sflag:s7] =	ssyncset.done $0x0;
	(pc) =	sbr.rel @p0 .LBB2_1-.Ltmp1, $4  }
0x43: {  	[sflag:s7] =	ssyncadd.s32 $0xFFFF0000  }
0x44: {  	[hbm4b:s13+s2] =	stream.linear.scatter [tilespmem:s6], [sflag:$0x2], $0x10000, $0x38;
	[tilespmem:$0x10200] =	vst v63  }
0x45: {  	_ =	swait.ge [sflag:s3], $0x10000  }
0x46: {  	[sflag:s3] =	ssyncset.done $0x0  }
.LBB2_2:
0x47: {  	[sflag:s3] =	ssyncadd.s32 $0xFFFF0000  }
0x48: {  	_ =	sfence.sel $0x180000  }
0x49: {  	[bflag:$0x0] =	sbarrier.arrive $0xFFFF  }
0x4a: {  	p0 =	sne.s32 s0, $0x0;
	_ =	strace $0x90000047  }
0x4b: {  	s0 =	sadd.s32 @!p0 $0x100000, s1;
	[bflag:$0x2] =	sbarrier.arrive $0xFFFF  }
0x4c: {  	[sflag:s0] =	ssyncadd.tile.s32 @!p0 $0x1;
	_ =	shalt  }
.Lfunc_end2:
_tile_overlayer_lowered:
.L_overlay_start_2:
0x4d: {  	(tag) =	ssettag $0x2  }
0x4e: {  	s0 =	rddreg [dreg:$0x0];
	s2 =	stileid.u32  }
0x4f: {  	s1 =	rddreg [dreg:$0x1];
	p0 =	sne.s32 s2, $0x0  }
0x50: {  	s3 =	rddreg [dreg:$0x2];
	[bflag:$0x3] =	sbarrier.arrive $0xFFFF;
	s2 =	simm.s32 @!p0 $0x1C02  }
0x51: {  	[timem:s3], [sflag:s2] =	dma.local @!p0 [hbm:s0], s1  }
0x52: {  	s0 =	simm.s32 @!p0 $0x2  }
0x53: {  	_ =	swait.ge @!p0 [sflag:s0], s1  }
0x54: {  	s1 =	ssub.s32 @!p0 $0x0, s1;
	[sflag:s0] =	ssyncset.done @!p0 $0x0  }
0x55: {  	[sflag:s0] =	ssyncadd.s32 @!p0 s1  }
0x56: {  	[bflag:$0x3] =	sbarrier.arrive $0xFFFF  }
0x57: {  	_ =	shalt  }

</sc_bundles>
